<compile_context>
chip_gen: v7x
topology: tpu7x:2x2x1
jax: 0.10.2.dev20260603
libtpu: 0.0.44.dev20260713+nightly
codegen_flags: <defaults>
</compile_context>

<pallas_src>
import functools

import jax
import jax.numpy as jnp
from jax import lax
from jax.experimental import pallas as pl
from jax.experimental.pallas import tpu as pltpu
from jax.experimental.pallas import tpu_sc as plsc

B, L, D, V = 512, 512, 128, 1024
PAD_ID, EOS_ID = 0, 1
N = B * L
NC, NS = 2, 16
NW = NC * NS
SLOT = 64
NBUF = 8
SPW = N // (NW * SLOT)
IPW = N // NW

_mesh = plsc.VectorSubcoreMesh(core_axis_name="c", subcore_axis_name="s")


@functools.partial(
    pl.kernel,
    out_type=jax.ShapeDtypeStruct((N, D), jnp.float32),
    mesh=_mesh,
    scratch_types=[
        pltpu.VMEM((IPW,), jnp.int32),
        pltpu.VMEM((NBUF, SLOT, D), jnp.float32),
        pltpu.VMEM_SHARED((V, D), jnp.float32),
        [pltpu.SemaphoreType.DMA] * NBUF,
        [pltpu.SemaphoreType.DMA] * NBUF,
    ],
)
def _gather_sc(ids_hbm, table_hbm, out_hbm, idx_v, rows_v, tab_sh, gsem, osem):
    wid = lax.axis_index("s") * NC + lax.axis_index("c")
    base_id = wid * IPW

    @pl.when(lax.axis_index("s") == 0)
    def _():
        pltpu.sync_copy(table_hbm, tab_sh)

    pltpu.sync_copy(ids_hbm.at[pl.ds(base_id, IPW)], idx_v)
    plsc.subcore_barrier()

    def gather(j, b):
        pltpu.async_copy(
            tab_sh.at[idx_v.at[pl.ds(j * SLOT, SLOT)]], rows_v.at[b], gsem[b])

    def wait_gather(b):
        pltpu.make_async_copy(
            tab_sh.at[idx_v.at[pl.ds(0, SLOT)]], rows_v.at[b], gsem[b]).wait()

    def put(j, b):
        pltpu.async_copy(
            rows_v.at[b], out_hbm.at[pl.ds(base_id + j * SLOT, SLOT)], osem[b])

    def wait_put(b):
        pltpu.make_async_copy(
            rows_v.at[b], out_hbm.at[pl.ds(0, SLOT)], osem[b]).wait()

    for b in range(NBUF):
        gather(b, b)

    def body(i, _):
        j0 = NBUF * i
        for b in range(NBUF):
            wait_gather(b)
            put(j0 + b, b)

        @pl.when(i + 1 < SPW // NBUF)
        def _():
            for b in range(NBUF):
                wait_put(b)
                gather(j0 + NBUF + b, b)

        return 0

    lax.fori_loop(0, SPW // NBUF, body, 0)
    for b in range(NBUF):
        wait_put(b)


def _mask_eos_body(ids_ref, mask_ref, eos_ref):
    ids = ids_ref[...]
    mask_ref[...] = ids == PAD_ID
    eos_ref[...] = (ids == EOS_ID).astype(jnp.float32)


_mask_eos = pl.pallas_call(
    _mask_eos_body,
    out_shape=(
        jax.ShapeDtypeStruct((B, L), jnp.bool_),
        jax.ShapeDtypeStruct((B, L), jnp.float32),
    ),
)


def kernel(lookup_ids, embedding_matrix):
    ids_flat = lookup_ids.reshape(N)
    matrices = _gather_sc(ids_flat, embedding_matrix).reshape(B, L, D)
    mask, eos = _mask_eos(lookup_ids)
    return (matrices, mask, eos, embedding_matrix, lookup_ids)

# --- scband reference (transcript-rebuilt; emitter-appended) ---
"""Pipeline reference for scband-agent-level-27659589386673 (READ-ONLY COPY).

The authoritative reference and input builder live on the scoring server;
editing this copy changes nothing except your own understanding.
"""

import jax, jax.numpy as jnp
import numpy as np

B, L, D, V = 512, 512, 128, 1024
PAD_ID, EOS_ID = 0, 1

def setup_inputs(seed: int = 0) -> dict:
    key = jax.random.key(seed)
    k1, k2 = jax.random.split(key)
    lookup_ids = jax.random.randint(k1, (B, L), 0, V)
    embedding_matrix = jax.random.normal(k2, (V, D), dtype=jnp.float32) * 0.02
    return {"lookup_ids": lookup_ids, "embedding_matrix": embedding_matrix}

def reference(lookup_ids, embedding_matrix):
    # Faithful translation of AgentLevel.get_children for level == 0:
    #   mask = (ids == pad_token_id); eos_positions = (ids == eos_token_id).float()
    #   matrices = index_select(embedding_matrix, 0, ids.view(-1)).view(B, L, D)
    #   labels = ids
    mask = lookup_ids == PAD_ID
    eos_positions = (lookup_ids == EOS_ID).astype(jnp.float32)
    flat_ids = lookup_ids.reshape(-1)
    matrices = jnp.take(embedding_matrix, flat_ids, axis=0)
    matrices = matrices.reshape(lookup_ids.shape[0], L, D)
    labels = lookup_ids
    return (matrices, mask, eos_positions, embedding_matrix, labels)

if __name__ == "__main__":
    import jax
    _d = setup_inputs()
    print(jax.jit(kernel)(*tuple(_d.values())))

</pallas_src>

<mosaic_0001>
#map = affine_map<(d0, d1) -> (0)>
#map1 = affine_map<(d0, d1) -> (0, 0)>
module attributes {stable_mosaic.version = 14 : i64} {
  func.func @_gather_sc(%arg0: i32, %arg1: i32, %arg2: memref<262144xi32, #tpu.memory_space<hbm>>, %arg3: memref<1024x128xf32, #tpu.memory_space<hbm>>, %arg4: memref<262144x128xf32, #tpu.memory_space<hbm>>, %arg5: memref<8192xi32, #tpu.memory_space<vmem>>, %arg6: memref<8x64x128xf32, #tpu.memory_space<vmem>>, %arg7: memref<1024x128xf32, #tpu.memory_space<vmem_shared>>, %arg8: memref<!tpu.dma_semaphore, #tpu.memory_space<semaphore_mem>>, %arg9: memref<!tpu.dma_semaphore, #tpu.memory_space<semaphore_mem>>, %arg10: memref<!tpu.dma_semaphore, #tpu.memory_space<semaphore_mem>>, %arg11: memref<!tpu.dma_semaphore, #tpu.memory_space<semaphore_mem>>, %arg12: memref<!tpu.dma_semaphore, #tpu.memory_space<semaphore_mem>>, %arg13: memref<!tpu.dma_semaphore, #tpu.memory_space<semaphore_mem>>, %arg14: memref<!tpu.dma_semaphore, #tpu.memory_space<semaphore_mem>>, %arg15: memref<!tpu.dma_semaphore, #tpu.memory_space<semaphore_mem>>, %arg16: memref<!tpu.dma_semaphore, #tpu.memory_space<semaphore_mem>>, %arg17: memref<!tpu.dma_semaphore, #tpu.memory_space<semaphore_mem>>, %arg18: memref<!tpu.dma_semaphore, #tpu.memory_space<semaphore_mem>>, %arg19: memref<!tpu.dma_semaphore, #tpu.memory_space<semaphore_mem>>, %arg20: memref<!tpu.dma_semaphore, #tpu.memory_space<semaphore_mem>>, %arg21: memref<!tpu.dma_semaphore, #tpu.memory_space<semaphore_mem>>, %arg22: memref<!tpu.dma_semaphore, #tpu.memory_space<semaphore_mem>>, %arg23: memref<!tpu.dma_semaphore, #tpu.memory_space<semaphore_mem>>) attributes {dimension_semantics = [#tpu.dimension_semantics<core_parallel>, #tpu.dimension_semantics<subcore_parallel>], iteration_bounds = array<i64: 2, 16>, scalar_prefetch = 0 : i64, scratch_operands = 19 : i64, tpu.core_type = #tpu.core_type<sc_vector_subcore>, window_params = [{transform_indices = #map}, {transform_indices = #map1}, {transform_indices = #map1}]} {
    %mul3A = arith.constant 2 : i32
    %mul3A_0 = arith.muli %arg1, %mul3A : i32
    %add3A = arith.addi %mul3A_0, %arg0 : i32
    %mul3A_1 = arith.constant 8192 : i32
    %mul3A_2 = arith.muli %add3A, %mul3A_1 : i32
    %eq3A = arith.constant 0 : i32
    %eq3A_3 = arith.cmpi eq, %arg1, %eq3A : i32
    %convert_element_type3A = arith.extui %eq3A_3 : i1 to i32
    %cond3A = arith.constant 0 : i32
    %cond3A_4 = arith.cmpi ne, %convert_element_type3A, %cond3A : i32
    scf.if %cond3A_4 {
      "tpu.region"() ({
        %run_scoped3A = tpu.sem_alloc : memref<!tpu.dma_semaphore, #tpu.memory_space<semaphore_mem>>
        tpu.enqueue_dma source(%arg3 : memref<1024x128xf32, #tpu.memory_space<hbm>>) target(%arg7 : memref<1024x128xf32, #tpu.memory_space<vmem_shared>>) target_semaphore(%run_scoped3A : memref<!tpu.dma_semaphore, #tpu.memory_space<semaphore_mem>>)
        tpu.wait_dma2 semaphore(%run_scoped3A : memref<!tpu.dma_semaphore, #tpu.memory_space<semaphore_mem>>) src(%arg3 : memref<1024x128xf32, #tpu.memory_space<hbm>>) dst(%arg7 : memref<1024x128xf32, #tpu.memory_space<vmem_shared>>)
        tpu.yield
      }) : () -> ()
    } else {
    }
    "tpu.region"() ({
      %run_scoped3A = tpu.sem_alloc : memref<!tpu.dma_semaphore, #tpu.memory_space<semaphore_mem>>
      %dma_start3A_209 = tpu.memref_slice %arg2[%mul3A_2] : memref<262144xi32, #tpu.memory_space<hbm>> -> memref<8192xi32, #tpu.memory_space<hbm>>
      %dma_start3A_210 = tpu.memref_slice %arg2[%mul3A_2] : memref<262144xi32, #tpu.memory_space<hbm>> -> memref<8192xi32, #tpu.memory_space<hbm>>
      tpu.enqueue_dma source(%dma_start3A_210 : memref<8192xi32, #tpu.memory_space<hbm>>) target(%arg5 : memref<8192xi32, #tpu.memory_space<vmem>>) target_semaphore(%run_scoped3A : memref<!tpu.dma_semaphore, #tpu.memory_space<semaphore_mem>>)
      %dma_wait3A_211 = tpu.memref_slice %arg2[%mul3A_2] : memref<262144xi32, #tpu.memory_space<hbm>> -> memref<8192xi32, #tpu.memory_space<hbm>>
      %dma_wait3A_212 = tpu.memref_slice %arg2[%mul3A_2] : memref<262144xi32, #tpu.memory_space<hbm>> -> memref<8192xi32, #tpu.memory_space<hbm>>
      tpu.wait_dma2 semaphore(%run_scoped3A : memref<!tpu.dma_semaphore, #tpu.memory_space<semaphore_mem>>) src(%dma_wait3A_212 : memref<8192xi32, #tpu.memory_space<hbm>>) dst(%arg5 : memref<8192xi32, #tpu.memory_space<vmem>>)
      tpu.yield
    }) : () -> ()
    %barrier3A = arith.constant 0 : index
    tpu.barrier barrier_id(%barrier3A)
    %dma_start3A = arith.constant 0 : i32
    %dma_start3A_5 = arith.constant 0 : i32
    %dma_start3A_6 = arith.constant 0 : i32
    %dma_start3A_7 = tpu.memref_slice %arg6[%dma_start3A, %dma_start3A_5, %dma_start3A_6] : memref<8x64x128xf32, #tpu.memory_space<vmem>> -> memref<1x64x128xf32, #tpu.memory_space<vmem>>
    %dma_start3A_8 = tpu.memref_squeeze %dma_start3A_7 : memref<1x64x128xf32, #tpu.memory_space<vmem>> -> memref<64x128xf32, #tpu.memory_space<vmem>>
    %dma_start3A_9 = arith.constant 0 : i32
    %dma_start3A_10 = tpu.memref_slice %arg5[%dma_start3A_9] : memref<8192xi32, #tpu.memory_space<vmem>> -> memref<64xi32, #tpu.memory_space<vmem>>
    %dma_start3A_11 = arith.constant 0 : i32
    %dma_start3A_12 = arith.constant 0 : i32
    %dma_start3A_13 = tpu.memref_slice %arg7[%dma_start3A_11, %dma_start3A_12] : memref<1024x128xf32, #tpu.memory_space<vmem_shared>> -> memref<1024x128xf32, #tpu.memory_space<vmem_shared>>
    tpu.enqueue_indirect_dma source(%dma_start3A_13 : memref<1024x128xf32, #tpu.memory_space<vmem_shared>>) target(%dma_start3A_8 : memref<64x128xf32, #tpu.memory_space<vmem>>) offsets(%dma_start3A_10 : memref<64xi32, #tpu.memory_space<vmem>>) semaphore(%arg8 : memref<!tpu.dma_semaphore, #tpu.memory_space<semaphore_mem>>)
    %dma_start3A_14 = arith.constant 1 : i32
    %dma_start3A_15 = arith.constant 0 : i32
    %dma_start3A_16 = arith.constant 0 : i32
    %dma_start3A_17 = tpu.memref_slice %arg6[%dma_start3A_14, %dma_start3A_15, %dma_start3A_16] : memref<8x64x128xf32, #tpu.memory_space<vmem>> -> memref<1x64x128xf32, #tpu.memory_space<vmem>>
    %dma_start3A_18 = tpu.memref_squeeze %dma_start3A_17 : memref<1x64x128xf32, #tpu.memory_space<vmem>> -> memref<64x128xf32, #tpu.memory_space<vmem>>
    %dma_start3A_19 = arith.constant 64 : i32
    %dma_start3A_20 = tpu.memref_slice %arg5[%dma_start3A_19] : memref<8192xi32, #tpu.memory_space<vmem>> -> memref<64xi32, #tpu.memory_space<vmem>>
    %dma_start3A_21 = arith.constant 0 : i32
    %dma_start3A_22 = arith.constant 0 : i32
    %dma_start3A_23 = tpu.memref_slice %arg7[%dma_start3A_21, %dma_start3A_22] : memref<1024x128xf32, #tpu.memory_space<vmem_shared>> -> memref<1024x128xf32, #tpu.memory_space<vmem_shared>>
    tpu.enqueue_indirect_dma source(%dma_start3A_23 : memref<1024x128xf32, #tpu.memory_space<vmem_shared>>) target(%dma_start3A_18 : memref<64x128xf32, #tpu.memory_space<vmem>>) offsets(%dma_start3A_20 : memref<64xi32, #tpu.memory_space<vmem>>) semaphore(%arg9 : memref<!tpu.dma_semaphore, #tpu.memory_space<semaphore_mem>>)
    %dma_start3A_24 = arith.constant 2 : i32
    %dma_start3A_25 = arith.constant 0 : i32
    %dma_start3A_26 = arith.constant 0 : i32
    %dma_start3A_27 = tpu.memref_slice %arg6[%dma_start3A_24, %dma_start3A_25, %dma_start3A_26] : memref<8x64x128xf32, #tpu.memory_space<vmem>> -> memref<1x64x128xf32, #tpu.memory_space<vmem>>
    %dma_start3A_28 = tpu.memref_squeeze %dma_start3A_27 : memref<1x64x128xf32, #tpu.memory_space<vmem>> -> memref<64x128xf32, #tpu.memory_space<vmem>>
    %dma_start3A_29 = arith.constant 128 : i32
    %dma_start3A_30 = tpu.memref_slice %arg5[%dma_start3A_29] : memref<8192xi32, #tpu.memory_space<vmem>> -> memref<64xi32, #tpu.memory_space<vmem>>
    %dma_start3A_31 = arith.constant 0 : i32
    %dma_start3A_32 = arith.constant 0 : i32
    %dma_start3A_33 = tpu.memref_slice %arg7[%dma_start3A_31, %dma_start3A_32] : memref<1024x128xf32, #tpu.memory_space<vmem_shared>> -> memref<1024x128xf32, #tpu.memory_space<vmem_shared>>
    tpu.enqueue_indirect_dma source(%dma_start3A_33 : memref<1024x128xf32, #tpu.memory_space<vmem_shared>>) target(%dma_start3A_28 : memref<64x128xf32, #tpu.memory_space<vmem>>) offsets(%dma_start3A_30 : memref<64xi32, #tpu.memory_space<vmem>>) semaphore(%arg10 : memref<!tpu.dma_semaphore, #tpu.memory_space<semaphore_mem>>)
    %dma_start3A_34 = arith.constant 3 : i32
    %dma_start3A_35 = arith.constant 0 : i32
    %dma_start3A_36 = arith.constant 0 : i32
    %dma_start3A_37 = tpu.memref_slice %arg6[%dma_start3A_34, %dma_start3A_35, %dma_start3A_36] : memref<8x64x128xf32, #tpu.memory_space<vmem>> -> memref<1x64x128xf32, #tpu.memory_space<vmem>>
    %dma_start3A_38 = tpu.memref_squeeze %dma_start3A_37 : memref<1x64x128xf32, #tpu.memory_space<vmem>> -> memref<64x128xf32, #tpu.memory_space<vmem>>
    %dma_start3A_39 = arith.constant 192 : i32
    %dma_start3A_40 = tpu.memref_slice %arg5[%dma_start3A_39] : memref<8192xi32, #tpu.memory_space<vmem>> -> memref<64xi32, #tpu.memory_space<vmem>>
    %dma_start3A_41 = arith.constant 0 : i32
    %dma_start3A_42 = arith.constant 0 : i32
    %dma_start3A_43 = tpu.memref_slice %arg7[%dma_start3A_41, %dma_start3A_42] : memref<1024x128xf32, #tpu.memory_space<vmem_shared>> -> memref<1024x128xf32, #tpu.memory_space<vmem_shared>>
    tpu.enqueue_indirect_dma source(%dma_start3A_43 : memref<1024x128xf32, #tpu.memory_space<vmem_shared>>) target(%dma_start3A_38 : memref<64x128xf32, #tpu.memory_space<vmem>>) offsets(%dma_start3A_40 : memref<64xi32, #tpu.memory_space<vmem>>) semaphore(%arg11 : memref<!tpu.dma_semaphore, #tpu.memory_space<semaphore_mem>>)
    %dma_start3A_44 = arith.constant 4 : i32
    %dma_start3A_45 = arith.constant 0 : i32
    %dma_start3A_46 = arith.constant 0 : i32
    %dma_start3A_47 = tpu.memref_slice %arg6[%dma_start3A_44, %dma_start3A_45, %dma_start3A_46] : memref<8x64x128xf32, #tpu.memory_space<vmem>> -> memref<1x64x128xf32, #tpu.memory_space<vmem>>
    %dma_start3A_48 = tpu.memref_squeeze %dma_start3A_47 : memref<1x64x128xf32, #tpu.memory_space<vmem>> -> memref<64x128xf32, #tpu.memory_space<vmem>>
    %dma_start3A_49 = arith.constant 256 : i32
    %dma_start3A_50 = tpu.memref_slice %arg5[%dma_start3A_49] : memref<8192xi32, #tpu.memory_space<vmem>> -> memref<64xi32, #tpu.memory_space<vmem>>
    %dma_start3A_51 = arith.constant 0 : i32
    %dma_start3A_52 = arith.constant 0 : i32
    %dma_start3A_53 = tpu.memref_slice %arg7[%dma_start3A_51, %dma_start3A_52] : memref<1024x128xf32, #tpu.memory_space<vmem_shared>> -> memref<1024x128xf32, #tpu.memory_space<vmem_shared>>
    tpu.enqueue_indirect_dma source(%dma_start3A_53 : memref<1024x128xf32, #tpu.memory_space<vmem_shared>>) target(%dma_start3A_48 : memref<64x128xf32, #tpu.memory_space<vmem>>) offsets(%dma_start3A_50 : memref<64xi32, #tpu.memory_space<vmem>>) semaphore(%arg12 : memref<!tpu.dma_semaphore, #tpu.memory_space<semaphore_mem>>)
    %dma_start3A_54 = arith.constant 5 : i32
    %dma_start3A_55 = arith.constant 0 : i32
    %dma_start3A_56 = arith.constant 0 : i32
    %dma_start3A_57 = tpu.memref_slice %arg6[%dma_start3A_54, %dma_start3A_55, %dma_start3A_56] : memref<8x64x128xf32, #tpu.memory_space<vmem>> -> memref<1x64x128xf32, #tpu.memory_space<vmem>>
    %dma_start3A_58 = tpu.memref_squeeze %dma_start3A_57 : memref<1x64x128xf32, #tpu.memory_space<vmem>> -> memref<64x128xf32, #tpu.memory_space<vmem>>
    %dma_start3A_59 = arith.constant 320 : i32
    %dma_start3A_60 = tpu.memref_slice %arg5[%dma_start3A_59] : memref<8192xi32, #tpu.memory_space<vmem>> -> memref<64xi32, #tpu.memory_space<vmem>>
    %dma_start3A_61 = arith.constant 0 : i32
    %dma_start3A_62 = arith.constant 0 : i32
    %dma_start3A_63 = tpu.memref_slice %arg7[%dma_start3A_61, %dma_start3A_62] : memref<1024x128xf32, #tpu.memory_space<vmem_shared>> -> memref<1024x128xf32, #tpu.memory_space<vmem_shared>>
    tpu.enqueue_indirect_dma source(%dma_start3A_63 : memref<1024x128xf32, #tpu.memory_space<vmem_shared>>) target(%dma_start3A_58 : memref<64x128xf32, #tpu.memory_space<vmem>>) offsets(%dma_start3A_60 : memref<64xi32, #tpu.memory_space<vmem>>) semaphore(%arg13 : memref<!tpu.dma_semaphore, #tpu.memory_space<semaphore_mem>>)
    %dma_start3A_64 = arith.constant 6 : i32
    %dma_start3A_65 = arith.constant 0 : i32
    %dma_start3A_66 = arith.constant 0 : i32
    %dma_start3A_67 = tpu.memref_slice %arg6[%dma_start3A_64, %dma_start3A_65, %dma_start3A_66] : memref<8x64x128xf32, #tpu.memory_space<vmem>> -> memref<1x64x128xf32, #tpu.memory_space<vmem>>
    %dma_start3A_68 = tpu.memref_squeeze %dma_start3A_67 : memref<1x64x128xf32, #tpu.memory_space<vmem>> -> memref<64x128xf32, #tpu.memory_space<vmem>>
    %dma_start3A_69 = arith.constant 384 : i32
    %dma_start3A_70 = tpu.memref_slice %arg5[%dma_start3A_69] : memref<8192xi32, #tpu.memory_space<vmem>> -> memref<64xi32, #tpu.memory_space<vmem>>
    %dma_start3A_71 = arith.constant 0 : i32
    %dma_start3A_72 = arith.constant 0 : i32
    %dma_start3A_73 = tpu.memref_slice %arg7[%dma_start3A_71, %dma_start3A_72] : memref<1024x128xf32, #tpu.memory_space<vmem_shared>> -> memref<1024x128xf32, #tpu.memory_space<vmem_shared>>
    tpu.enqueue_indirect_dma source(%dma_start3A_73 : memref<1024x128xf32, #tpu.memory_space<vmem_shared>>) target(%dma_start3A_68 : memref<64x128xf32, #tpu.memory_space<vmem>>) offsets(%dma_start3A_70 : memref<64xi32, #tpu.memory_space<vmem>>) semaphore(%arg14 : memref<!tpu.dma_semaphore, #tpu.memory_space<semaphore_mem>>)
    %dma_start3A_74 = arith.constant 7 : i32
    %dma_start3A_75 = arith.constant 0 : i32
    %dma_start3A_76 = arith.constant 0 : i32
    %dma_start3A_77 = tpu.memref_slice %arg6[%dma_start3A_74, %dma_start3A_75, %dma_start3A_76] : memref<8x64x128xf32, #tpu.memory_space<vmem>> -> memref<1x64x128xf32, #tpu.memory_space<vmem>>
    %dma_start3A_78 = tpu.memref_squeeze %dma_start3A_77 : memref<1x64x128xf32, #tpu.memory_space<vmem>> -> memref<64x128xf32, #tpu.memory_space<vmem>>
    %dma_start3A_79 = arith.constant 448 : i32
    %dma_start3A_80 = tpu.memref_slice %arg5[%dma_start3A_79] : memref<8192xi32, #tpu.memory_space<vmem>> -> memref<64xi32, #tpu.memory_space<vmem>>
    %dma_start3A_81 = arith.constant 0 : i32
    %dma_start3A_82 = arith.constant 0 : i32
    %dma_start3A_83 = tpu.memref_slice %arg7[%dma_start3A_81, %dma_start3A_82] : memref<1024x128xf32, #tpu.memory_space<vmem_shared>> -> memref<1024x128xf32, #tpu.memory_space<vmem_shared>>
    tpu.enqueue_indirect_dma source(%dma_start3A_83 : memref<1024x128xf32, #tpu.memory_space<vmem_shared>>) target(%dma_start3A_78 : memref<64x128xf32, #tpu.memory_space<vmem>>) offsets(%dma_start3A_80 : memref<64xi32, #tpu.memory_space<vmem>>) semaphore(%arg15 : memref<!tpu.dma_semaphore, #tpu.memory_space<semaphore_mem>>)
    %scan3A = arith.constant 0 : i32
    %scan3A_84 = arith.constant 0 : i32
    %scan3A_85 = arith.constant 16 : i32
    %scan3A_86 = arith.addi %scan3A_84, %scan3A_85 : i32
    %scan3A_87 = arith.constant 1 : i32
    %scan3A_88 = scf.for %scan3A_209 = %scan3A_84 to %scan3A_86 step %scan3A_87 iter_args(%scan3A_210 = %scan3A) -> (i32)  : i32 {
      %mul3A_211 = arith.constant 8 : i32
      %mul3A_212 = arith.muli %mul3A_211, %scan3A_209 : i32
      %dma_wait3A_213 = arith.constant 0 : i32
      %dma_wait3A_214 = arith.constant 0 : i32
      %dma_wait3A_215 = arith.constant 0 : i32
      %dma_wait3A_216 = tpu.memref_slice %arg6[%dma_wait3A_213, %dma_wait3A_214, %dma_wait3A_215] : memref<8x64x128xf32, #tpu.memory_space<vmem>> -> memref<1x64x128xf32, #tpu.memory_space<vmem>>
      %dma_wait3A_217 = tpu.memref_squeeze %dma_wait3A_216 : memref<1x64x128xf32, #tpu.memory_space<vmem>> -> memref<64x128xf32, #tpu.memory_space<vmem>>
      %dma_wait3A_218 = arith.constant 0 : i32
      %dma_wait3A_219 = tpu.memref_slice %arg5[%dma_wait3A_218] : memref<8192xi32, #tpu.memory_space<vmem>> -> memref<64xi32, #tpu.memory_space<vmem>>
      %dma_wait3A_220 = arith.constant 0 : i32
      %dma_wait3A_221 = arith.constant 0 : i32
      %dma_wait3A_222 = tpu.memref_slice %arg7[%dma_wait3A_220, %dma_wait3A_221] : memref<1024x128xf32, #tpu.memory_space<vmem_shared>> -> memref<1024x128xf32, #tpu.memory_space<vmem_shared>>
      tpu.wait_indirect_dma semaphore(%arg8 : memref<!tpu.dma_semaphore, #tpu.memory_space<semaphore_mem>>) src(%dma_wait3A_222 : memref<1024x128xf32, #tpu.memory_space<vmem_shared>>) dst(%dma_wait3A_217 : memref<64x128xf32, #tpu.memory_space<vmem>>)
      %add3A_223 = arith.constant 0 : i32
      %add3A_224 = arith.addi %mul3A_212, %add3A_223 : i32
      %mul3A_225 = arith.constant 64 : i32
      %mul3A_226 = arith.muli %add3A_224, %mul3A_225 : i32
      %add3A_227 = arith.addi %mul3A_2, %mul3A_226 : i32
      %dma_start3A_228 = arith.constant 0 : i32
      %dma_start3A_229 = arith.constant 0 : i32
      %dma_start3A_230 = arith.constant 0 : i32
      %dma_start3A_231 = tpu.memref_slice %arg6[%dma_start3A_228, %dma_start3A_229, %dma_start3A_230] : memref<8x64x128xf32, #tpu.memory_space<vmem>> -> memref<1x64x128xf32, #tpu.memory_space<vmem>>
      %dma_start3A_232 = tpu.memref_squeeze %dma_start3A_231 : memref<1x64x128xf32, #tpu.memory_space<vmem>> -> memref<64x128xf32, #tpu.memory_space<vmem>>
      %dma_start3A_233 = arith.constant 0 : i32
      %dma_start3A_234 = tpu.memref_slice %arg4[%add3A_227, %dma_start3A_233] : memref<262144x128xf32, #tpu.memory_space<hbm>> -> memref<64x128xf32, #tpu.memory_space<hbm>>
      %dma_start3A_235 = arith.constant 0 : i32
      %dma_start3A_236 = tpu.memref_slice %arg4[%add3A_227, %dma_start3A_235] : memref<262144x128xf32, #tpu.memory_space<hbm>> -> memref<64x128xf32, #tpu.memory_space<hbm>>
      %dma_start3A_237 = arith.constant 0 : i32
      %dma_start3A_238 = arith.constant 0 : i32
      %dma_start3A_239 = tpu.memref_slice %arg6[%dma_start3A_228, %dma_start3A_237, %dma_start3A_238] : memref<8x64x128xf32, #tpu.memory_space<vmem>> -> memref<1x64x128xf32, #tpu.memory_space<vmem>>
      %dma_start3A_240 = tpu.memref_squeeze %dma_start3A_239 : memref<1x64x128xf32, #tpu.memory_space<vmem>> -> memref<64x128xf32, #tpu.memory_space<vmem>>
      tpu.enqueue_dma source(%dma_start3A_240 : memref<64x128xf32, #tpu.memory_space<vmem>>) target(%dma_start3A_236 : memref<64x128xf32, #tpu.memory_space<hbm>>) target_semaphore(%arg16 : memref<!tpu.dma_semaphore, #tpu.memory_space<semaphore_mem>>)
      %dma_wait3A_241 = arith.constant 1 : i32
      %dma_wait3A_242 = arith.constant 0 : i32
      %dma_wait3A_243 = arith.constant 0 : i32
      %dma_wait3A_244 = tpu.memref_slice %arg6[%dma_wait3A_241, %dma_wait3A_242, %dma_wait3A_243] : memref<8x64x128xf32, #tpu.memory_space<vmem>> -> memref<1x64x128xf32, #tpu.memory_space<vmem>>
      %dma_wait3A_245 = tpu.memref_squeeze %dma_wait3A_244 : memref<1x64x128xf32, #tpu.memory_space<vmem>> -> memref<64x128xf32, #tpu.memory_space<vmem>>
      %dma_wait3A_246 = arith.constant 0 : i32
      %dma_wait3A_247 = tpu.memref_slice %arg5[%dma_wait3A_246] : memref<8192xi32, #tpu.memory_space<vmem>> -> memref<64xi32, #tpu.memory_space<vmem>>
      %dma_wait3A_248 = arith.constant 0 : i32
      %dma_wait3A_249 = arith.constant 0 : i32
      %dma_wait3A_250 = tpu.memref_slice %arg7[%dma_wait3A_248, %dma_wait3A_249] : memref<1024x128xf32, #tpu.memory_space<vmem_shared>> -> memref<1024x128xf32, #tpu.memory_space<vmem_shared>>
      tpu.wait_indirect_dma semaphore(%arg9 : memref<!tpu.dma_semaphore, #tpu.memory_space<semaphore_mem>>) src(%dma_wait3A_250 : memref<1024x128xf32, #tpu.memory_space<vmem_shared>>) dst(%dma_wait3A_245 : memref<64x128xf32, #tpu.memory_space<vmem>>)
      %add3A_251 = arith.constant 1 : i32
      %add3A_252 = arith.addi %mul3A_212, %add3A_251 : i32
      %mul3A_253 = arith.constant 64 : i32
      %mul3A_254 = arith.muli %add3A_252, %mul3A_253 : i32
      %add3A_255 = arith.addi %mul3A_2, %mul3A_254 : i32
      %dma_start3A_256 = arith.constant 1 : i32
      %dma_start3A_257 = arith.constant 0 : i32
      %dma_start3A_258 = arith.constant 0 : i32
      %dma_start3A_259 = tpu.memref_slice %arg6[%dma_start3A_256, %dma_start3A_257, %dma_start3A_258] : memref<8x64x128xf32, #tpu.memory_space<vmem>> -> memref<1x64x128xf32, #tpu.memory_space<vmem>>
      %dma_start3A_260 = tpu.memref_squeeze %dma_start3A_259 : memref<1x64x128xf32, #tpu.memory_space<vmem>> -> memref<64x128xf32, #tpu.memory_space<vmem>>
      %dma_start3A_261 = arith.constant 0 : i32
      %dma_start3A_262 = tpu.memref_slice %arg4[%add3A_255, %dma_start3A_261] : memref<262144x128xf32, #tpu.memory_space<hbm>> -> memref<64x128xf32, #tpu.memory_space<hbm>>
      %dma_start3A_263 = arith.constant 0 : i32
      %dma_start3A_264 = tpu.memref_slice %arg4[%add3A_255, %dma_start3A_263] : memref<262144x128xf32, #tpu.memory_space<hbm>> -> memref<64x128xf32, #tpu.memory_space<hbm>>
      %dma_start3A_265 = arith.constant 0 : i32
      %dma_start3A_266 = arith.constant 0 : i32
      %dma_start3A_267 = tpu.memref_slice %arg6[%dma_start3A_256, %dma_start3A_265, %dma_start3A_266] : memref<8x64x128xf32, #tpu.memory_space<vmem>> -> memref<1x64x128xf32, #tpu.memory_space<vmem>>
      %dma_start3A_268 = tpu.memref_squeeze %dma_start3A_267 : memref<1x64x128xf32, #tpu.memory_space<vmem>> -> memref<64x128xf32, #tpu.memory_space<vmem>>
      tpu.enqueue_dma source(%dma_start3A_268 : memref<64x128xf32, #tpu.memory_space<vmem>>) target(%dma_start3A_264 : memref<64x128xf32, #tpu.memory_space<hbm>>) target_semaphore(%arg17 : memref<!tpu.dma_semaphore, #tpu.memory_space<semaphore_mem>>)
      %dma_wait3A_269 = arith.constant 2 : i32
      %dma_wait3A_270 = arith.constant 0 : i32
      %dma_wait3A_271 = arith.constant 0 : i32
      %dma_wait3A_272 = tpu.memref_slice %arg6[%dma_wait3A_269, %dma_wait3A_270, %dma_wait3A_271] : memref<8x64x128xf32, #tpu.memory_space<vmem>> -> memref<1x64x128xf32, #tpu.memory_space<vmem>>
      %dma_wait3A_273 = tpu.memref_squeeze %dma_wait3A_272 : memref<1x64x128xf32, #tpu.memory_space<vmem>> -> memref<64x128xf32, #tpu.memory_space<vmem>>
      %dma_wait3A_274 = arith.constant 0 : i32
      %dma_wait3A_275 = tpu.memref_slice %arg5[%dma_wait3A_274] : memref<8192xi32, #tpu.memory_space<vmem>> -> memref<64xi32, #tpu.memory_space<vmem>>
      %dma_wait3A_276 = arith.constant 0 : i32
      %dma_wait3A_277 = arith.constant 0 : i32
      %dma_wait3A_278 = tpu.memref_slice %arg7[%dma_wait3A_276, %dma_wait3A_277] : memref<1024x128xf32, #tpu.memory_space<vmem_shared>> -> memref<1024x128xf32, #tpu.memory_space<vmem_shared>>
      tpu.wait_indirect_dma semaphore(%arg10 : memref<!tpu.dma_semaphore, #tpu.memory_space<semaphore_mem>>) src(%dma_wait3A_278 : memref<1024x128xf32, #tpu.memory_space<vmem_shared>>) dst(%dma_wait3A_273 : memref<64x128xf32, #tpu.memory_space<vmem>>)
      %add3A_279 = arith.constant 2 : i32
      %add3A_280 = arith.addi %mul3A_212, %add3A_279 : i32
      %mul3A_281 = arith.constant 64 : i32
      %mul3A_282 = arith.muli %add3A_280, %mul3A_281 : i32
      %add3A_283 = arith.addi %mul3A_2, %mul3A_282 : i32
      %dma_start3A_284 = arith.constant 2 : i32
      %dma_start3A_285 = arith.constant 0 : i32
      %dma_start3A_286 = arith.constant 0 : i32
      %dma_start3A_287 = tpu.memref_slice %arg6[%dma_start3A_284, %dma_start3A_285, %dma_start3A_286] : memref<8x64x128xf32, #tpu.memory_space<vmem>> -> memref<1x64x128xf32, #tpu.memory_space<vmem>>
      %dma_start3A_288 = tpu.memref_squeeze %dma_start3A_287 : memref<1x64x128xf32, #tpu.memory_space<vmem>> -> memref<64x128xf32, #tpu.memory_space<vmem>>
      %dma_start3A_289 = arith.constant 0 : i32
      %dma_start3A_290 = tpu.memref_slice %arg4[%add3A_283, %dma_start3A_289] : memref<262144x128xf32, #tpu.memory_space<hbm>> -> memref<64x128xf32, #tpu.memory_space<hbm>>
      %dma_start3A_291 = arith.constant 0 : i32
      %dma_start3A_292 = tpu.memref_slice %arg4[%add3A_283, %dma_start3A_291] : memref<262144x128xf32, #tpu.memory_space<hbm>> -> memref<64x128xf32, #tpu.memory_space<hbm>>
      %dma_start3A_293 = arith.constant 0 : i32
      %dma_start3A_294 = arith.constant 0 : i32
      %dma_start3A_295 = tpu.memref_slice %arg6[%dma_start3A_284, %dma_start3A_293, %dma_start3A_294] : memref<8x64x128xf32, #tpu.memory_space<vmem>> -> memref<1x64x128xf32, #tpu.memory_space<vmem>>
      %dma_start3A_296 = tpu.memref_squeeze %dma_start3A_295 : memref<1x64x128xf32, #tpu.memory_space<vmem>> -> memref<64x128xf32, #tpu.memory_space<vmem>>
      tpu.enqueue_dma source(%dma_start3A_296 : memref<64x128xf32, #tpu.memory_space<vmem>>) target(%dma_start3A_292 : memref<64x128xf32, #tpu.memory_space<hbm>>) target_semaphore(%arg18 : memref<!tpu.dma_semaphore, #tpu.memory_space<semaphore_mem>>)
      %dma_wait3A_297 = arith.constant 3 : i32
      %dma_wait3A_298 = arith.constant 0 : i32
      %dma_wait3A_299 = arith.constant 0 : i32
      %dma_wait3A_300 = tpu.memref_slice %arg6[%dma_wait3A_297, %dma_wait3A_298, %dma_wait3A_299] : memref<8x64x128xf32, #tpu.memory_space<vmem>> -> memref<1x64x128xf32, #tpu.memory_space<vmem>>
      %dma_wait3A_301 = tpu.memref_squeeze %dma_wait3A_300 : memref<1x64x128xf32, #tpu.memory_space<vmem>> -> memref<64x128xf32, #tpu.memory_space<vmem>>
      %dma_wait3A_302 = arith.constant 0 : i32
      %dma_wait3A_303 = tpu.memref_slice %arg5[%dma_wait3A_302] : memref<8192xi32, #tpu.memory_space<vmem>> -> memref<64xi32, #tpu.memory_space<vmem>>
      %dma_wait3A_304 = arith.constant 0 : i32
      %dma_wait3A_305 = arith.constant 0 : i32
      %dma_wait3A_306 = tpu.memref_slice %arg7[%dma_wait3A_304, %dma_wait3A_305] : memref<1024x128xf32, #tpu.memory_space<vmem_shared>> -> memref<1024x128xf32, #tpu.memory_space<vmem_shared>>
      tpu.wait_indirect_dma semaphore(%arg11 : memref<!tpu.dma_semaphore, #tpu.memory_space<semaphore_mem>>) src(%dma_wait3A_306 : memref<1024x128xf32, #tpu.memory_space<vmem_shared>>) dst(%dma_wait3A_301 : memref<64x128xf32, #tpu.memory_space<vmem>>)
      %add3A_307 = arith.constant 3 : i32
      %add3A_308 = arith.addi %mul3A_212, %add3A_307 : i32
      %mul3A_309 = arith.constant 64 : i32
      %mul3A_310 = arith.muli %add3A_308, %mul3A_309 : i32
      %add3A_311 = arith.addi %mul3A_2, %mul3A_310 : i32
      %dma_start3A_312 = arith.constant 3 : i32
      %dma_start3A_313 = arith.constant 0 : i32
      %dma_start3A_314 = arith.constant 0 : i32
      %dma_start3A_315 = tpu.memref_slice %arg6[%dma_start3A_312, %dma_start3A_313, %dma_start3A_314] : memref<8x64x128xf32, #tpu.memory_space<vmem>> -> memref<1x64x128xf32, #tpu.memory_space<vmem>>
      %dma_start3A_316 = tpu.memref_squeeze %dma_start3A_315 : memref<1x64x128xf32, #tpu.memory_space<vmem>> -> memref<64x128xf32, #tpu.memory_space<vmem>>
      %dma_start3A_317 = arith.constant 0 : i32
      %dma_start3A_318 = tpu.memref_slice %arg4[%add3A_311, %dma_start3A_317] : memref<262144x128xf32, #tpu.memory_space<hbm>> -> memref<64x128xf32, #tpu.memory_space<hbm>>
      %dma_start3A_319 = arith.constant 0 : i32
      %dma_start3A_320 = tpu.memref_slice %arg4[%add3A_311, %dma_start3A_319] : memref<262144x128xf32, #tpu.memory_space<hbm>> -> memref<64x128xf32, #tpu.memory_space<hbm>>
      %dma_start3A_321 = arith.constant 0 : i32
      %dma_start3A_322 = arith.constant 0 : i32
      %dma_start3A_323 = tpu.memref_slice %arg6[%dma_start3A_312, %dma_start3A_321, %dma_start3A_322] : memref<8x64x128xf32, #tpu.memory_space<vmem>> -> memref<1x64x128xf32, #tpu.memory_space<vmem>>
      %dma_start3A_324 = tpu.memref_squeeze %dma_start3A_323 : memref<1x64x128xf32, #tpu.memory_space<vmem>> -> memref<64x128xf32, #tpu.memory_space<vmem>>
      tpu.enqueue_dma source(%dma_start3A_324 : memref<64x128xf32, #tpu.memory_space<vmem>>) target(%dma_start3A_320 : memref<64x128xf32, #tpu.memory_space<hbm>>) target_semaphore(%arg19 : memref<!tpu.dma_semaphore, #tpu.memory_space<semaphore_mem>>)
      %dma_wait3A_325 = arith.constant 4 : i32
      %dma_wait3A_326 = arith.constant 0 : i32
      %dma_wait3A_327 = arith.constant 0 : i32
      %dma_wait3A_328 = tpu.memref_slice %arg6[%dma_wait3A_325, %dma_wait3A_326, %dma_wait3A_327] : memref<8x64x128xf32, #tpu.memory_space<vmem>> -> memref<1x64x128xf32, #tpu.memory_space<vmem>>
      %dma_wait3A_329 = tpu.memref_squeeze %dma_wait3A_328 : memref<1x64x128xf32, #tpu.memory_space<vmem>> -> memref<64x128xf32, #tpu.memory_space<vmem>>
      %dma_wait3A_330 = arith.constant 0 : i32
      %dma_wait3A_331 = tpu.memref_slice %arg5[%dma_wait3A_330] : memref<8192xi32, #tpu.memory_space<vmem>> -> memref<64xi32, #tpu.memory_space<vmem>>
      %dma_wait3A_332 = arith.constant 0 : i32
      %dma_wait3A_333 = arith.constant 0 : i32
      %dma_wait3A_334 = tpu.memref_slice %arg7[%dma_wait3A_332, %dma_wait3A_333] : memref<1024x128xf32, #tpu.memory_space<vmem_shared>> -> memref<1024x128xf32, #tpu.memory_space<vmem_shared>>
      tpu.wait_indirect_dma semaphore(%arg12 : memref<!tpu.dma_semaphore, #tpu.memory_space<semaphore_mem>>) src(%dma_wait3A_334 : memref<1024x128xf32, #tpu.memory_space<vmem_shared>>) dst(%dma_wait3A_329 : memref<64x128xf32, #tpu.memory_space<vmem>>)
      %add3A_335 = arith.constant 4 : i32
      %add3A_336 = arith.addi %mul3A_212, %add3A_335 : i32
      %mul3A_337 = arith.constant 64 : i32
      %mul3A_338 = arith.muli %add3A_336, %mul3A_337 : i32
      %add3A_339 = arith.addi %mul3A_2, %mul3A_338 : i32
      %dma_start3A_340 = arith.constant 4 : i32
      %dma_start3A_341 = arith.constant 0 : i32
      %dma_start3A_342 = arith.constant 0 : i32
      %dma_start3A_343 = tpu.memref_slice %arg6[%dma_start3A_340, %dma_start3A_341, %dma_start3A_342] : memref<8x64x128xf32, #tpu.memory_space<vmem>> -> memref<1x64x128xf32, #tpu.memory_space<vmem>>
      %dma_start3A_344 = tpu.memref_squeeze %dma_start3A_343 : memref<1x64x128xf32, #tpu.memory_space<vmem>> -> memref<64x128xf32, #tpu.memory_space<vmem>>
      %dma_start3A_345 = arith.constant 0 : i32
      %dma_start3A_346 = tpu.memref_slice %arg4[%add3A_339, %dma_start3A_345] : memref<262144x128xf32, #tpu.memory_space<hbm>> -> memref<64x128xf32, #tpu.memory_space<hbm>>
      %dma_start3A_347 = arith.constant 0 : i32
      %dma_start3A_348 = tpu.memref_slice %arg4[%add3A_339, %dma_start3A_347] : memref<262144x128xf32, #tpu.memory_space<hbm>> -> memref<64x128xf32, #tpu.memory_space<hbm>>
      %dma_start3A_349 = arith.constant 0 : i32
      %dma_start3A_350 = arith.constant 0 : i32
      %dma_start3A_351 = tpu.memref_slice %arg6[%dma_start3A_340, %dma_start3A_349, %dma_start3A_350] : memref<8x64x128xf32, #tpu.memory_space<vmem>> -> memref<1x64x128xf32, #tpu.memory_space<vmem>>
      %dma_start3A_352 = tpu.memref_squeeze %dma_start3A_351 : memref<1x64x128xf32, #tpu.memory_space<vmem>> -> memref<64x128xf32, #tpu.memory_space<vmem>>
      tpu.enqueue_dma source(%dma_start3A_352 : memref<64x128xf32, #tpu.memory_space<vmem>>) target(%dma_start3A_348 : memref<64x128xf32, #tpu.memory_space<hbm>>) target_semaphore(%arg20 : memref<!tpu.dma_semaphore, #tpu.memory_space<semaphore_mem>>)
      %dma_wait3A_353 = arith.constant 5 : i32
      %dma_wait3A_354 = arith.constant 0 : i32
      %dma_wait3A_355 = arith.constant 0 : i32
      %dma_wait3A_356 = tpu.memref_slice %arg6[%dma_wait3A_353, %dma_wait3A_354, %dma_wait3A_355] : memref<8x64x128xf32, #tpu.memory_space<vmem>> -> memref<1x64x128xf32, #tpu.memory_space<vmem>>
      %dma_wait3A_357 = tpu.memref_squeeze %dma_wait3A_356 : memref<1x64x128xf32, #tpu.memory_space<vmem>> -> memref<64x128xf32, #tpu.memory_space<vmem>>
      %dma_wait3A_358 = arith.constant 0 : i32
      %dma_wait3A_359 = tpu.memref_slice %arg5[%dma_wait3A_358] : memref<8192xi32, #tpu.memory_space<vmem>> -> memref<64xi32, #tpu.memory_space<vmem>>
      %dma_wait3A_360 = arith.constant 0 : i32
      %dma_wait3A_361 = arith.constant 0 : i32
      %dma_wait3A_362 = tpu.memref_slice %arg7[%dma_wait3A_360, %dma_wait3A_361] : memref<1024x128xf32, #tpu.memory_space<vmem_shared>> -> memref<1024x128xf32, #tpu.memory_space<vmem_shared>>
      tpu.wait_indirect_dma semaphore(%arg13 : memref<!tpu.dma_semaphore, #tpu.memory_space<semaphore_mem>>) src(%dma_wait3A_362 : memref<1024x128xf32, #tpu.memory_space<vmem_shared>>) dst(%dma_wait3A_357 : memref<64x128xf32, #tpu.memory_space<vmem>>)
      %add3A_363 = arith.constant 5 : i32
      %add3A_364 = arith.addi %mul3A_212, %add3A_363 : i32
      %mul3A_365 = arith.constant 64 : i32
      %mul3A_366 = arith.muli %add3A_364, %mul3A_365 : i32
      %add3A_367 = arith.addi %mul3A_2, %mul3A_366 : i32
      %dma_start3A_368 = arith.constant 5 : i32
      %dma_start3A_369 = arith.constant 0 : i32
      %dma_start3A_370 = arith.constant 0 : i32
      %dma_start3A_371 = tpu.memref_slice %arg6[%dma_start3A_368, %dma_start3A_369, %dma_start3A_370] : memref<8x64x128xf32, #tpu.memory_space<vmem>> -> memref<1x64x128xf32, #tpu.memory_space<vmem>>
      %dma_start3A_372 = tpu.memref_squeeze %dma_start3A_371 : memref<1x64x128xf32, #tpu.memory_space<vmem>> -> memref<64x128xf32, #tpu.memory_space<vmem>>
      %dma_start3A_373 = arith.constant 0 : i32
      %dma_start3A_374 = tpu.memref_slice %arg4[%add3A_367, %dma_start3A_373] : memref<262144x128xf32, #tpu.memory_space<hbm>> -> memref<64x128xf32, #tpu.memory_space<hbm>>
      %dma_start3A_375 = arith.constant 0 : i32
      %dma_start3A_376 = tpu.memref_slice %arg4[%add3A_367, %dma_start3A_375] : memref<262144x128xf32, #tpu.memory_space<hbm>> -> memref<64x128xf32, #tpu.memory_space<hbm>>
      %dma_start3A_377 = arith.constant 0 : i32
      %dma_start3A_378 = arith.constant 0 : i32
      %dma_start3A_379 = tpu.memref_slice %arg6[%dma_start3A_368, %dma_start3A_377, %dma_start3A_378] : memref<8x64x128xf32, #tpu.memory_space<vmem>> -> memref<1x64x128xf32, #tpu.memory_space<vmem>>
      %dma_start3A_380 = tpu.memref_squeeze %dma_start3A_379 : memref<1x64x128xf32, #tpu.memory_space<vmem>> -> memref<64x128xf32, #tpu.memory_space<vmem>>
      tpu.enqueue_dma source(%dma_start3A_380 : memref<64x128xf32, #tpu.memory_space<vmem>>) target(%dma_start3A_376 : memref<64x128xf32, #tpu.memory_space<hbm>>) target_semaphore(%arg21 : memref<!tpu.dma_semaphore, #tpu.memory_space<semaphore_mem>>)
      %dma_wait3A_381 = arith.constant 6 : i32
      %dma_wait3A_382 = arith.constant 0 : i32
      %dma_wait3A_383 = arith.constant 0 : i32
      %dma_wait3A_384 = tpu.memref_slice %arg6[%dma_wait3A_381, %dma_wait3A_382, %dma_wait3A_383] : memref<8x64x128xf32, #tpu.memory_space<vmem>> -> memref<1x64x128xf32, #tpu.memory_space<vmem>>
      %dma_wait3A_385 = tpu.memref_squeeze %dma_wait3A_384 : memref<1x64x128xf32, #tpu.memory_space<vmem>> -> memref<64x128xf32, #tpu.memory_space<vmem>>
      %dma_wait3A_386 = arith.constant 0 : i32
      %dma_wait3A_387 = tpu.memref_slice %arg5[%dma_wait3A_386] : memref<8192xi32, #tpu.memory_space<vmem>> -> memref<64xi32, #tpu.memory_space<vmem>>
      %dma_wait3A_388 = arith.constant 0 : i32
      %dma_wait3A_389 = arith.constant 0 : i32
      %dma_wait3A_390 = tpu.memref_slice %arg7[%dma_wait3A_388, %dma_wait3A_389] : memref<1024x128xf32, #tpu.memory_space<vmem_shared>> -> memref<1024x128xf32, #tpu.memory_space<vmem_shared>>
      tpu.wait_indirect_dma semaphore(%arg14 : memref<!tpu.dma_semaphore, #tpu.memory_space<semaphore_mem>>) src(%dma_wait3A_390 : memref<1024x128xf32, #tpu.memory_space<vmem_shared>>) dst(%dma_wait3A_385 : memref<64x128xf32, #tpu.memory_space<vmem>>)
      %add3A_391 = arith.constant 6 : i32
      %add3A_392 = arith.addi %mul3A_212, %add3A_391 : i32
      %mul3A_393 = arith.constant 64 : i32
      %mul3A_394 = arith.muli %add3A_392, %mul3A_393 : i32
      %add3A_395 = arith.addi %mul3A_2, %mul3A_394 : i32
      %dma_start3A_396 = arith.constant 6 : i32
      %dma_start3A_397 = arith.constant 0 : i32
      %dma_start3A_398 = arith.constant 0 : i32
      %dma_start3A_399 = tpu.memref_slice %arg6[%dma_start3A_396, %dma_start3A_397, %dma_start3A_398] : memref<8x64x128xf32, #tpu.memory_space<vmem>> -> memref<1x64x128xf32, #tpu.memory_space<vmem>>
      %dma_start3A_400 = tpu.memref_squeeze %dma_start3A_399 : memref<1x64x128xf32, #tpu.memory_space<vmem>> -> memref<64x128xf32, #tpu.memory_space<vmem>>
      %dma_start3A_401 = arith.constant 0 : i32
      %dma_start3A_402 = tpu.memref_slice %arg4[%add3A_395, %dma_start3A_401] : memref<262144x128xf32, #tpu.memory_space<hbm>> -> memref<64x128xf32, #tpu.memory_space<hbm>>
      %dma_start3A_403 = arith.constant 0 : i32
      %dma_start3A_404 = tpu.memref_slice %arg4[%add3A_395, %dma_start3A_403] : memref<262144x128xf32, #tpu.memory_space<hbm>> -> memref<64x128xf32, #tpu.memory_space<hbm>>
      %dma_start3A_405 = arith.constant 0 : i32
      %dma_start3A_406 = arith.constant 0 : i32
      %dma_start3A_407 = tpu.memref_slice %arg6[%dma_start3A_396, %dma_start3A_405, %dma_start3A_406] : memref<8x64x128xf32, #tpu.memory_space<vmem>> -> memref<1x64x128xf32, #tpu.memory_space<vmem>>
      %dma_start3A_408 = tpu.memref_squeeze %dma_start3A_407 : memref<1x64x128xf32, #tpu.memory_space<vmem>> -> memref<64x128xf32, #tpu.memory_space<vmem>>
      tpu.enqueue_dma source(%dma_start3A_408 : memref<64x128xf32, #tpu.memory_space<vmem>>) target(%dma_start3A_404 : memref<64x128xf32, #tpu.memory_space<hbm>>) target_semaphore(%arg22 : memref<!tpu.dma_semaphore, #tpu.memory_space<semaphore_mem>>)
      %dma_wait3A_409 = arith.constant 7 : i32
      %dma_wait3A_410 = arith.constant 0 : i32
      %dma_wait3A_411 = arith.constant 0 : i32
      %dma_wait3A_412 = tpu.memref_slice %arg6[%dma_wait3A_409, %dma_wait3A_410, %dma_wait3A_411] : memref<8x64x128xf32, #tpu.memory_space<vmem>> -> memref<1x64x128xf32, #tpu.memory_space<vmem>>
      %dma_wait3A_413 = tpu.memref_squeeze %dma_wait3A_412 : memref<1x64x128xf32, #tpu.memory_space<vmem>> -> memref<64x128xf32, #tpu.memory_space<vmem>>
      %dma_wait3A_414 = arith.constant 0 : i32
      %dma_wait3A_415 = tpu.memref_slice %arg5[%dma_wait3A_414] : memref<8192xi32, #tpu.memory_space<vmem>> -> memref<64xi32, #tpu.memory_space<vmem>>
      %dma_wait3A_416 = arith.constant 0 : i32
      %dma_wait3A_417 = arith.constant 0 : i32
      %dma_wait3A_418 = tpu.memref_slice %arg7[%dma_wait3A_416, %dma_wait3A_417] : memref<1024x128xf32, #tpu.memory_space<vmem_shared>> -> memref<1024x128xf32, #tpu.memory_space<vmem_shared>>
      tpu.wait_indirect_dma semaphore(%arg15 : memref<!tpu.dma_semaphore, #tpu.memory_space<semaphore_mem>>) src(%dma_wait3A_418 : memref<1024x128xf32, #tpu.memory_space<vmem_shared>>) dst(%dma_wait3A_413 : memref<64x128xf32, #tpu.memory_space<vmem>>)
      %add3A_419 = arith.constant 7 : i32
      %add3A_420 = arith.addi %mul3A_212, %add3A_419 : i32
      %mul3A_421 = arith.constant 64 : i32
      %mul3A_422 = arith.muli %add3A_420, %mul3A_421 : i32
      %add3A_423 = arith.addi %mul3A_2, %mul3A_422 : i32
      %dma_start3A_424 = arith.constant 7 : i32
      %dma_start3A_425 = arith.constant 0 : i32
      %dma_start3A_426 = arith.constant 0 : i32
      %dma_start3A_427 = tpu.memref_slice %arg6[%dma_start3A_424, %dma_start3A_425, %dma_start3A_426] : memref<8x64x128xf32, #tpu.memory_space<vmem>> -> memref<1x64x128xf32, #tpu.memory_space<vmem>>
      %dma_start3A_428 = tpu.memref_squeeze %dma_start3A_427 : memref<1x64x128xf32, #tpu.memory_space<vmem>> -> memref<64x128xf32, #tpu.memory_space<vmem>>
      %dma_start3A_429 = arith.constant 0 : i32
      %dma_start3A_430 = tpu.memref_slice %arg4[%add3A_423, %dma_start3A_429] : memref<262144x128xf32, #tpu.memory_space<hbm>> -> memref<64x128xf32, #tpu.memory_space<hbm>>
      %dma_start3A_431 = arith.constant 0 : i32
      %dma_start3A_432 = tpu.memref_slice %arg4[%add3A_423, %dma_start3A_431] : memref<262144x128xf32, #tpu.memory_space<hbm>> -> memref<64x128xf32, #tpu.memory_space<hbm>>
      %dma_start3A_433 = arith.constant 0 : i32
      %dma_start3A_434 = arith.constant 0 : i32
      %dma_start3A_435 = tpu.memref_slice %arg6[%dma_start3A_424, %dma_start3A_433, %dma_start3A_434] : memref<8x64x128xf32, #tpu.memory_space<vmem>> -> memref<1x64x128xf32, #tpu.memory_space<vmem>>
      %dma_start3A_436 = tpu.memref_squeeze %dma_start3A_435 : memref<1x64x128xf32, #tpu.memory_space<vmem>> -> memref<64x128xf32, #tpu.memory_space<vmem>>
      tpu.enqueue_dma source(%dma_start3A_436 : memref<64x128xf32, #tpu.memory_space<vmem>>) target(%dma_start3A_432 : memref<64x128xf32, #tpu.memory_space<hbm>>) target_semaphore(%arg23 : memref<!tpu.dma_semaphore, #tpu.memory_space<semaphore_mem>>)
      %add3A_437 = arith.constant 1 : i32
      %add3A_438 = arith.addi %scan3A_209, %add3A_437 : i32
      %lt3A = arith.constant 16 : i32
      %lt3A_439 = arith.cmpi slt, %add3A_438, %lt3A : i32
      %convert_element_type3A_440 = arith.extui %lt3A_439 : i1 to i32
      %cond3A_441 = arith.constant 0 : i32
      %cond3A_442 = arith.cmpi ne, %convert_element_type3A_440, %cond3A_441 : i32
      scf.if %cond3A_442 {
        %dma_wait3A_444 = arith.constant 0 : i32
        %dma_wait3A_445 = arith.constant 0 : i32
        %dma_wait3A_446 = arith.constant 0 : i32
        %dma_wait3A_447 = tpu.memref_slice %arg6[%dma_wait3A_444, %dma_wait3A_445, %dma_wait3A_446] : memref<8x64x128xf32, #tpu.memory_space<vmem>> -> memref<1x64x128xf32, #tpu.memory_space<vmem>>
        %dma_wait3A_448 = tpu.memref_squeeze %dma_wait3A_447 : memref<1x64x128xf32, #tpu.memory_space<vmem>> -> memref<64x128xf32, #tpu.memory_space<vmem>>
        %dma_wait3A_449 = arith.constant 0 : i32
        %dma_wait3A_450 = arith.constant 0 : i32
        %dma_wait3A_451 = tpu.memref_slice %arg4[%dma_wait3A_449, %dma_wait3A_450] : memref<262144x128xf32, #tpu.memory_space<hbm>> -> memref<64x128xf32, #tpu.memory_space<hbm>>
        %dma_wait3A_452 = arith.constant 0 : i32
        %dma_wait3A_453 = arith.constant 0 : i32
        %dma_wait3A_454 = tpu.memref_slice %arg4[%dma_wait3A_452, %dma_wait3A_453] : memref<262144x128xf32, #tpu.memory_space<hbm>> -> memref<64x128xf32, #tpu.memory_space<hbm>>
        %dma_wait3A_455 = arith.constant 0 : i32
        %dma_wait3A_456 = arith.constant 0 : i32
        %dma_wait3A_457 = tpu.memref_slice %arg6[%dma_wait3A_444, %dma_wait3A_455, %dma_wait3A_456] : memref<8x64x128xf32, #tpu.memory_space<vmem>> -> memref<1x64x128xf32, #tpu.memory_space<vmem>>
        %dma_wait3A_458 = tpu.memref_squeeze %dma_wait3A_457 : memref<1x64x128xf32, #tpu.memory_space<vmem>> -> memref<64x128xf32, #tpu.memory_space<vmem>>
        tpu.wait_dma2 semaphore(%arg16 : memref<!tpu.dma_semaphore, #tpu.memory_space<semaphore_mem>>) src(%dma_wait3A_458 : memref<64x128xf32, #tpu.memory_space<vmem>>) dst(%dma_wait3A_454 : memref<64x128xf32, #tpu.memory_space<hbm>>)
        %add3A_459 = arith.constant 8 : i32
        %add3A_460 = arith.addi %mul3A_212, %add3A_459 : i32
        %add3A_461 = arith.constant 0 : i32
        %add3A_462 = arith.addi %add3A_460, %add3A_461 : i32
        %mul3A_463 = arith.constant 64 : i32
        %mul3A_464 = arith.muli %add3A_462, %mul3A_463 : i32
        %dma_start3A_465 = arith.constant 0 : i32
        %dma_start3A_466 = arith.constant 0 : i32
        %dma_start3A_467 = arith.constant 0 : i32
        %dma_start3A_468 = tpu.memref_slice %arg6[%dma_start3A_465, %dma_start3A_466, %dma_start3A_467] : memref<8x64x128xf32, #tpu.memory_space<vmem>> -> memref<1x64x128xf32, #tpu.memory_space<vmem>>
        %dma_start3A_469 = tpu.memref_squeeze %dma_start3A_468 : memref<1x64x128xf32, #tpu.memory_space<vmem>> -> memref<64x128xf32, #tpu.memory_space<vmem>>
        %dma_start3A_470 = tpu.memref_slice %arg5[%mul3A_464] : memref<8192xi32, #tpu.memory_space<vmem>> -> memref<64xi32, #tpu.memory_space<vmem>>
        %dma_start3A_471 = arith.constant 0 : i32
        %dma_start3A_472 = arith.constant 0 : i32
        %dma_start3A_473 = tpu.memref_slice %arg7[%dma_start3A_471, %dma_start3A_472] : memref<1024x128xf32, #tpu.memory_space<vmem_shared>> -> memref<1024x128xf32, #tpu.memory_space<vmem_shared>>
        tpu.enqueue_indirect_dma source(%dma_start3A_473 : memref<1024x128xf32, #tpu.memory_space<vmem_shared>>) target(%dma_start3A_469 : memref<64x128xf32, #tpu.memory_space<vmem>>) offsets(%dma_start3A_470 : memref<64xi32, #tpu.memory_space<vmem>>) semaphore(%arg8 : memref<!tpu.dma_semaphore, #tpu.memory_space<semaphore_mem>>)
        %dma_wait3A_474 = arith.constant 1 : i32
        %dma_wait3A_475 = arith.constant 0 : i32
        %dma_wait3A_476 = arith.constant 0 : i32
        %dma_wait3A_477 = tpu.memref_slice %arg6[%dma_wait3A_474, %dma_wait3A_475, %dma_wait3A_476] : memref<8x64x128xf32, #tpu.memory_space<vmem>> -> memref<1x64x128xf32, #tpu.memory_space<vmem>>
        %dma_wait3A_478 = tpu.memref_squeeze %dma_wait3A_477 : memref<1x64x128xf32, #tpu.memory_space<vmem>> -> memref<64x128xf32, #tpu.memory_space<vmem>>
        %dma_wait3A_479 = arith.constant 0 : i32
        %dma_wait3A_480 = arith.constant 0 : i32
        %dma_wait3A_481 = tpu.memref_slice %arg4[%dma_wait3A_479, %dma_wait3A_480] : memref<262144x128xf32, #tpu.memory_space<hbm>> -> memref<64x128xf32, #tpu.memory_space<hbm>>
        %dma_wait3A_482 = arith.constant 0 : i32
        %dma_wait3A_483 = arith.constant 0 : i32
        %dma_wait3A_484 = tpu.memref_slice %arg4[%dma_wait3A_482, %dma_wait3A_483] : memref<262144x128xf32, #tpu.memory_space<hbm>> -> memref<64x128xf32, #tpu.memory_space<hbm>>
        %dma_wait3A_485 = arith.constant 0 : i32
        %dma_wait3A_486 = arith.constant 0 : i32
        %dma_wait3A_487 = tpu.memref_slice %arg6[%dma_wait3A_474, %dma_wait3A_485, %dma_wait3A_486] : memref<8x64x128xf32, #tpu.memory_space<vmem>> -> memref<1x64x128xf32, #tpu.memory_space<vmem>>
        %dma_wait3A_488 = tpu.memref_squeeze %dma_wait3A_487 : memref<1x64x128xf32, #tpu.memory_space<vmem>> -> memref<64x128xf32, #tpu.memory_space<vmem>>
        tpu.wait_dma2 semaphore(%arg17 : memref<!tpu.dma_semaphore, #tpu.memory_space<semaphore_mem>>) src(%dma_wait3A_488 : memref<64x128xf32, #tpu.memory_space<vmem>>) dst(%dma_wait3A_484 : memref<64x128xf32, #tpu.memory_space<hbm>>)
        %add3A_489 = arith.constant 8 : i32
        %add3A_490 = arith.addi %mul3A_212, %add3A_489 : i32
        %add3A_491 = arith.constant 1 : i32
        %add3A_492 = arith.addi %add3A_490, %add3A_491 : i32
        %mul3A_493 = arith.constant 64 : i32
        %mul3A_494 = arith.muli %add3A_492, %mul3A_493 : i32
        %dma_start3A_495 = arith.constant 1 : i32
        %dma_start3A_496 = arith.constant 0 : i32
        %dma_start3A_497 = arith.constant 0 : i32
        %dma_start3A_498 = tpu.memref_slice %arg6[%dma_start3A_495, %dma_start3A_496, %dma_start3A_497] : memref<8x64x128xf32, #tpu.memory_space<vmem>> -> memref<1x64x128xf32, #tpu.memory_space<vmem>>
        %dma_start3A_499 = tpu.memref_squeeze %dma_start3A_498 : memref<1x64x128xf32, #tpu.memory_space<vmem>> -> memref<64x128xf32, #tpu.memory_space<vmem>>
        %dma_start3A_500 = tpu.memref_slice %arg5[%mul3A_494] : memref<8192xi32, #tpu.memory_space<vmem>> -> memref<64xi32, #tpu.memory_space<vmem>>
        %dma_start3A_501 = arith.constant 0 : i32
        %dma_start3A_502 = arith.constant 0 : i32
        %dma_start3A_503 = tpu.memref_slice %arg7[%dma_start3A_501, %dma_start3A_502] : memref<1024x128xf32, #tpu.memory_space<vmem_shared>> -> memref<1024x128xf32, #tpu.memory_space<vmem_shared>>
        tpu.enqueue_indirect_dma source(%dma_start3A_503 : memref<1024x128xf32, #tpu.memory_space<vmem_shared>>) target(%dma_start3A_499 : memref<64x128xf32, #tpu.memory_space<vmem>>) offsets(%dma_start3A_500 : memref<64xi32, #tpu.memory_space<vmem>>) semaphore(%arg9 : memref<!tpu.dma_semaphore, #tpu.memory_space<semaphore_mem>>)
        %dma_wait3A_504 = arith.constant 2 : i32
        %dma_wait3A_505 = arith.constant 0 : i32
        %dma_wait3A_506 = arith.constant 0 : i32
        %dma_wait3A_507 = tpu.memref_slice %arg6[%dma_wait3A_504, %dma_wait3A_505, %dma_wait3A_506] : memref<8x64x128xf32, #tpu.memory_space<vmem>> -> memref<1x64x128xf32, #tpu.memory_space<vmem>>
        %dma_wait3A_508 = tpu.memref_squeeze %dma_wait3A_507 : memref<1x64x128xf32, #tpu.memory_space<vmem>> -> memref<64x128xf32, #tpu.memory_space<vmem>>
        %dma_wait3A_509 = arith.constant 0 : i32
        %dma_wait3A_510 = arith.constant 0 : i32
        %dma_wait3A_511 = tpu.memref_slice %arg4[%dma_wait3A_509, %dma_wait3A_510] : memref<262144x128xf32, #tpu.memory_space<hbm>> -> memref<64x128xf32, #tpu.memory_space<hbm>>
        %dma_wait3A_512 = arith.constant 0 : i32
        %dma_wait3A_513 = arith.constant 0 : i32
        %dma_wait3A_514 = tpu.memref_slice %arg4[%dma_wait3A_512, %dma_wait3A_513] : memref<262144x128xf32, #tpu.memory_space<hbm>> -> memref<64x128xf32, #tpu.memory_space<hbm>>
        %dma_wait3A_515 = arith.constant 0 : i32
        %dma_wait3A_516 = arith.constant 0 : i32
        %dma_wait3A_517 = tpu.memref_slice %arg6[%dma_wait3A_504, %dma_wait3A_515, %dma_wait3A_516] : memref<8x64x128xf32, #tpu.memory_space<vmem>> -> memref<1x64x128xf32, #tpu.memory_space<vmem>>
        %dma_wait3A_518 = tpu.memref_squeeze %dma_wait3A_517 : memref<1x64x128xf32, #tpu.memory_space<vmem>> -> memref<64x128xf32, #tpu.memory_space<vmem>>
        tpu.wait_dma2 semaphore(%arg18 : memref<!tpu.dma_semaphore, #tpu.memory_space<semaphore_mem>>) src(%dma_wait3A_518 : memref<64x128xf32, #tpu.memory_space<vmem>>) dst(%dma_wait3A_514 : memref<64x128xf32, #tpu.memory_space<hbm>>)
        %add3A_519 = arith.constant 8 : i32
        %add3A_520 = arith.addi %mul3A_212, %add3A_519 : i32
        %add3A_521 = arith.constant 2 : i32
        %add3A_522 = arith.addi %add3A_520, %add3A_521 : i32
        %mul3A_523 = arith.constant 64 : i32
        %mul3A_524 = arith.muli %add3A_522, %mul3A_523 : i32
        %dma_start3A_525 = arith.constant 2 : i32
        %dma_start3A_526 = arith.constant 0 : i32
        %dma_start3A_527 = arith.constant 0 : i32
        %dma_start3A_528 = tpu.memref_slice %arg6[%dma_start3A_525, %dma_start3A_526, %dma_start3A_527] : memref<8x64x128xf32, #tpu.memory_space<vmem>> -> memref<1x64x128xf32, #tpu.memory_space<vmem>>
        %dma_start3A_529 = tpu.memref_squeeze %dma_start3A_528 : memref<1x64x128xf32, #tpu.memory_space<vmem>> -> memref<64x128xf32, #tpu.memory_space<vmem>>
        %dma_start3A_530 = tpu.memref_slice %arg5[%mul3A_524] : memref<8192xi32, #tpu.memory_space<vmem>> -> memref<64xi32, #tpu.memory_space<vmem>>
        %dma_start3A_531 = arith.constant 0 : i32
        %dma_start3A_532 = arith.constant 0 : i32
        %dma_start3A_533 = tpu.memref_slice %arg7[%dma_start3A_531, %dma_start3A_532] : memref<1024x128xf32, #tpu.memory_space<vmem_shared>> -> memref<1024x128xf32, #tpu.memory_space<vmem_shared>>
        tpu.enqueue_indirect_dma source(%dma_start3A_533 : memref<1024x128xf32, #tpu.memory_space<vmem_shared>>) target(%dma_start3A_529 : memref<64x128xf32, #tpu.memory_space<vmem>>) offsets(%dma_start3A_530 : memref<64xi32, #tpu.memory_space<vmem>>) semaphore(%arg10 : memref<!tpu.dma_semaphore, #tpu.memory_space<semaphore_mem>>)
        %dma_wait3A_534 = arith.constant 3 : i32
        %dma_wait3A_535 = arith.constant 0 : i32
        %dma_wait3A_536 = arith.constant 0 : i32
        %dma_wait3A_537 = tpu.memref_slice %arg6[%dma_wait3A_534, %dma_wait3A_535, %dma_wait3A_536] : memref<8x64x128xf32, #tpu.memory_space<vmem>> -> memref<1x64x128xf32, #tpu.memory_space<vmem>>
        %dma_wait3A_538 = tpu.memref_squeeze %dma_wait3A_537 : memref<1x64x128xf32, #tpu.memory_space<vmem>> -> memref<64x128xf32, #tpu.memory_space<vmem>>
        %dma_wait3A_539 = arith.constant 0 : i32
        %dma_wait3A_540 = arith.constant 0 : i32
        %dma_wait3A_541 = tpu.memref_slice %arg4[%dma_wait3A_539, %dma_wait3A_540] : memref<262144x128xf32, #tpu.memory_space<hbm>> -> memref<64x128xf32, #tpu.memory_space<hbm>>
        %dma_wait3A_542 = arith.constant 0 : i32
        %dma_wait3A_543 = arith.constant 0 : i32
        %dma_wait3A_544 = tpu.memref_slice %arg4[%dma_wait3A_542, %dma_wait3A_543] : memref<262144x128xf32, #tpu.memory_space<hbm>> -> memref<64x128xf32, #tpu.memory_space<hbm>>
        %dma_wait3A_545 = arith.constant 0 : i32
        %dma_wait3A_546 = arith.constant 0 : i32
        %dma_wait3A_547 = tpu.memref_slice %arg6[%dma_wait3A_534, %dma_wait3A_545, %dma_wait3A_546] : memref<8x64x128xf32, #tpu.memory_space<vmem>> -> memref<1x64x128xf32, #tpu.memory_space<vmem>>
        %dma_wait3A_548 = tpu.memref_squeeze %dma_wait3A_547 : memref<1x64x128xf32, #tpu.memory_space<vmem>> -> memref<64x128xf32, #tpu.memory_space<vmem>>
        tpu.wait_dma2 semaphore(%arg19 : memref<!tpu.dma_semaphore, #tpu.memory_space<semaphore_mem>>) src(%dma_wait3A_548 : memref<64x128xf32, #tpu.memory_space<vmem>>) dst(%dma_wait3A_544 : memref<64x128xf32, #tpu.memory_space<hbm>>)
        %add3A_549 = arith.constant 8 : i32
        %add3A_550 = arith.addi %mul3A_212, %add3A_549 : i32
        %add3A_551 = arith.constant 3 : i32
        %add3A_552 = arith.addi %add3A_550, %add3A_551 : i32
        %mul3A_553 = arith.constant 64 : i32
        %mul3A_554 = arith.muli %add3A_552, %mul3A_553 : i32
        %dma_start3A_555 = arith.constant 3 : i32
        %dma_start3A_556 = arith.constant 0 : i32
        %dma_start3A_557 = arith.constant 0 : i32
        %dma_start3A_558 = tpu.memref_slice %arg6[%dma_start3A_555, %dma_start3A_556, %dma_start3A_557] : memref<8x64x128xf32, #tpu.memory_space<vmem>> -> memref<1x64x128xf32, #tpu.memory_space<vmem>>
        %dma_start3A_559 = tpu.memref_squeeze %dma_start3A_558 : memref<1x64x128xf32, #tpu.memory_space<vmem>> -> memref<64x128xf32, #tpu.memory_space<vmem>>
        %dma_start3A_560 = tpu.memref_slice %arg5[%mul3A_554] : memref<8192xi32, #tpu.memory_space<vmem>> -> memref<64xi32, #tpu.memory_space<vmem>>
        %dma_start3A_561 = arith.constant 0 : i32
        %dma_start3A_562 = arith.constant 0 : i32
        %dma_start3A_563 = tpu.memref_slice %arg7[%dma_start3A_561, %dma_start3A_562] : memref<1024x128xf32, #tpu.memory_space<vmem_shared>> -> memref<1024x128xf32, #tpu.memory_space<vmem_shared>>
        tpu.enqueue_indirect_dma source(%dma_start3A_563 : memref<1024x128xf32, #tpu.memory_space<vmem_shared>>) target(%dma_start3A_559 : memref<64x128xf32, #tpu.memory_space<vmem>>) offsets(%dma_start3A_560 : memref<64xi32, #tpu.memory_space<vmem>>) semaphore(%arg11 : memref<!tpu.dma_semaphore, #tpu.memory_space<semaphore_mem>>)
        %dma_wait3A_564 = arith.constant 4 : i32
        %dma_wait3A_565 = arith.constant 0 : i32
        %dma_wait3A_566 = arith.constant 0 : i32
        %dma_wait3A_567 = tpu.memref_slice %arg6[%dma_wait3A_564, %dma_wait3A_565, %dma_wait3A_566] : memref<8x64x128xf32, #tpu.memory_space<vmem>> -> memref<1x64x128xf32, #tpu.memory_space<vmem>>
        %dma_wait3A_568 = tpu.memref_squeeze %dma_wait3A_567 : memref<1x64x128xf32, #tpu.memory_space<vmem>> -> memref<64x128xf32, #tpu.memory_space<vmem>>
        %dma_wait3A_569 = arith.constant 0 : i32
        %dma_wait3A_570 = arith.constant 0 : i32
        %dma_wait3A_571 = tpu.memref_slice %arg4[%dma_wait3A_569, %dma_wait3A_570] : memref<262144x128xf32, #tpu.memory_space<hbm>> -> memref<64x128xf32, #tpu.memory_space<hbm>>
        %dma_wait3A_572 = arith.constant 0 : i32
        %dma_wait3A_573 = arith.constant 0 : i32
        %dma_wait3A_574 = tpu.memref_slice %arg4[%dma_wait3A_572, %dma_wait3A_573] : memref<262144x128xf32, #tpu.memory_space<hbm>> -> memref<64x128xf32, #tpu.memory_space<hbm>>
        %dma_wait3A_575 = arith.constant 0 : i32
        %dma_wait3A_576 = arith.constant 0 : i32
        %dma_wait3A_577 = tpu.memref_slice %arg6[%dma_wait3A_564, %dma_wait3A_575, %dma_wait3A_576] : memref<8x64x128xf32, #tpu.memory_space<vmem>> -> memref<1x64x128xf32, #tpu.memory_space<vmem>>
        %dma_wait3A_578 = tpu.memref_squeeze %dma_wait3A_577 : memref<1x64x128xf32, #tpu.memory_space<vmem>> -> memref<64x128xf32, #tpu.memory_space<vmem>>
        tpu.wait_dma2 semaphore(%arg20 : memref<!tpu.dma_semaphore, #tpu.memory_space<semaphore_mem>>) src(%dma_wait3A_578 : memref<64x128xf32, #tpu.memory_space<vmem>>) dst(%dma_wait3A_574 : memref<64x128xf32, #tpu.memory_space<hbm>>)
        %add3A_579 = arith.constant 8 : i32
        %add3A_580 = arith.addi %mul3A_212, %add3A_579 : i32
        %add3A_581 = arith.constant 4 : i32
        %add3A_582 = arith.addi %add3A_580, %add3A_581 : i32
        %mul3A_583 = arith.constant 64 : i32
        %mul3A_584 = arith.muli %add3A_582, %mul3A_583 : i32
        %dma_start3A_585 = arith.constant 4 : i32
        %dma_start3A_586 = arith.constant 0 : i32
        %dma_start3A_587 = arith.constant 0 : i32
        %dma_start3A_588 = tpu.memref_slice %arg6[%dma_start3A_585, %dma_start3A_586, %dma_start3A_587] : memref<8x64x128xf32, #tpu.memory_space<vmem>> -> memref<1x64x128xf32, #tpu.memory_space<vmem>>
        %dma_start3A_589 = tpu.memref_squeeze %dma_start3A_588 : memref<1x64x128xf32, #tpu.memory_space<vmem>> -> memref<64x128xf32, #tpu.memory_space<vmem>>
        %dma_start3A_590 = tpu.memref_slice %arg5[%mul3A_584] : memref<8192xi32, #tpu.memory_space<vmem>> -> memref<64xi32, #tpu.memory_space<vmem>>
        %dma_start3A_591 = arith.constant 0 : i32
        %dma_start3A_592 = arith.constant 0 : i32
        %dma_start3A_593 = tpu.memref_slice %arg7[%dma_start3A_591, %dma_start3A_592] : memref<1024x128xf32, #tpu.memory_space<vmem_shared>> -> memref<1024x128xf32, #tpu.memory_space<vmem_shared>>
        tpu.enqueue_indirect_dma source(%dma_start3A_593 : memref<1024x128xf32, #tpu.memory_space<vmem_shared>>) target(%dma_start3A_589 : memref<64x128xf32, #tpu.memory_space<vmem>>) offsets(%dma_start3A_590 : memref<64xi32, #tpu.memory_space<vmem>>) semaphore(%arg12 : memref<!tpu.dma_semaphore, #tpu.memory_space<semaphore_mem>>)
        %dma_wait3A_594 = arith.constant 5 : i32
        %dma_wait3A_595 = arith.constant 0 : i32
        %dma_wait3A_596 = arith.constant 0 : i32
        %dma_wait3A_597 = tpu.memref_slice %arg6[%dma_wait3A_594, %dma_wait3A_595, %dma_wait3A_596] : memref<8x64x128xf32, #tpu.memory_space<vmem>> -> memref<1x64x128xf32, #tpu.memory_space<vmem>>
        %dma_wait3A_598 = tpu.memref_squeeze %dma_wait3A_597 : memref<1x64x128xf32, #tpu.memory_space<vmem>> -> memref<64x128xf32, #tpu.memory_space<vmem>>
        %dma_wait3A_599 = arith.constant 0 : i32
        %dma_wait3A_600 = arith.constant 0 : i32
        %dma_wait3A_601 = tpu.memref_slice %arg4[%dma_wait3A_599, %dma_wait3A_600] : memref<262144x128xf32, #tpu.memory_space<hbm>> -> memref<64x128xf32, #tpu.memory_space<hbm>>
        %dma_wait3A_602 = arith.constant 0 : i32
        %dma_wait3A_603 = arith.constant 0 : i32
        %dma_wait3A_604 = tpu.memref_slice %arg4[%dma_wait3A_602, %dma_wait3A_603] : memref<262144x128xf32, #tpu.memory_space<hbm>> -> memref<64x128xf32, #tpu.memory_space<hbm>>
        %dma_wait3A_605 = arith.constant 0 : i32
        %dma_wait3A_606 = arith.constant 0 : i32
        %dma_wait3A_607 = tpu.memref_slice %arg6[%dma_wait3A_594, %dma_wait3A_605, %dma_wait3A_606] : memref<8x64x128xf32, #tpu.memory_space<vmem>> -> memref<1x64x128xf32, #tpu.memory_space<vmem>>
        %dma_wait3A_608 = tpu.memref_squeeze %dma_wait3A_607 : memref<1x64x128xf32, #tpu.memory_space<vmem>> -> memref<64x128xf32, #tpu.memory_space<vmem>>
        tpu.wait_dma2 semaphore(%arg21 : memref<!tpu.dma_semaphore, #tpu.memory_space<semaphore_mem>>) src(%dma_wait3A_608 : memref<64x128xf32, #tpu.memory_space<vmem>>) dst(%dma_wait3A_604 : memref<64x128xf32, #tpu.memory_space<hbm>>)
        %add3A_609 = arith.constant 8 : i32
        %add3A_610 = arith.addi %mul3A_212, %add3A_609 : i32
        %add3A_611 = arith.constant 5 : i32
        %add3A_612 = arith.addi %add3A_610, %add3A_611 : i32
        %mul3A_613 = arith.constant 64 : i32
        %mul3A_614 = arith.muli %add3A_612, %mul3A_613 : i32
        %dma_start3A_615 = arith.constant 5 : i32
        %dma_start3A_616 = arith.constant 0 : i32
        %dma_start3A_617 = arith.constant 0 : i32
        %dma_start3A_618 = tpu.memref_slice %arg6[%dma_start3A_615, %dma_start3A_616, %dma_start3A_617] : memref<8x64x128xf32, #tpu.memory_space<vmem>> -> memref<1x64x128xf32, #tpu.memory_space<vmem>>
        %dma_start3A_619 = tpu.memref_squeeze %dma_start3A_618 : memref<1x64x128xf32, #tpu.memory_space<vmem>> -> memref<64x128xf32, #tpu.memory_space<vmem>>
        %dma_start3A_620 = tpu.memref_slice %arg5[%mul3A_614] : memref<8192xi32, #tpu.memory_space<vmem>> -> memref<64xi32, #tpu.memory_space<vmem>>
        %dma_start3A_621 = arith.constant 0 : i32
        %dma_start3A_622 = arith.constant 0 : i32
        %dma_start3A_623 = tpu.memref_slice %arg7[%dma_start3A_621, %dma_start3A_622] : memref<1024x128xf32, #tpu.memory_space<vmem_shared>> -> memref<1024x128xf32, #tpu.memory_space<vmem_shared>>
        tpu.enqueue_indirect_dma source(%dma_start3A_623 : memref<1024x128xf32, #tpu.memory_space<vmem_shared>>) target(%dma_start3A_619 : memref<64x128xf32, #tpu.memory_space<vmem>>) offsets(%dma_start3A_620 : memref<64xi32, #tpu.memory_space<vmem>>) semaphore(%arg13 : memref<!tpu.dma_semaphore, #tpu.memory_space<semaphore_mem>>)
        %dma_wait3A_624 = arith.constant 6 : i32
        %dma_wait3A_625 = arith.constant 0 : i32
        %dma_wait3A_626 = arith.constant 0 : i32
        %dma_wait3A_627 = tpu.memref_slice %arg6[%dma_wait3A_624, %dma_wait3A_625, %dma_wait3A_626] : memref<8x64x128xf32, #tpu.memory_space<vmem>> -> memref<1x64x128xf32, #tpu.memory_space<vmem>>
        %dma_wait3A_628 = tpu.memref_squeeze %dma_wait3A_627 : memref<1x64x128xf32, #tpu.memory_space<vmem>> -> memref<64x128xf32, #tpu.memory_space<vmem>>
        %dma_wait3A_629 = arith.constant 0 : i32
        %dma_wait3A_630 = arith.constant 0 : i32
        %dma_wait3A_631 = tpu.memref_slice %arg4[%dma_wait3A_629, %dma_wait3A_630] : memref<262144x128xf32, #tpu.memory_space<hbm>> -> memref<64x128xf32, #tpu.memory_space<hbm>>
        %dma_wait3A_632 = arith.constant 0 : i32
        %dma_wait3A_633 = arith.constant 0 : i32
        %dma_wait3A_634 = tpu.memref_slice %arg4[%dma_wait3A_632, %dma_wait3A_633] : memref<262144x128xf32, #tpu.memory_space<hbm>> -> memref<64x128xf32, #tpu.memory_space<hbm>>
        %dma_wait3A_635 = arith.constant 0 : i32
        %dma_wait3A_636 = arith.constant 0 : i32
        %dma_wait3A_637 = tpu.memref_slice %arg6[%dma_wait3A_624, %dma_wait3A_635, %dma_wait3A_636] : memref<8x64x128xf32, #tpu.memory_space<vmem>> -> memref<1x64x128xf32, #tpu.memory_space<vmem>>
        %dma_wait3A_638 = tpu.memref_squeeze %dma_wait3A_637 : memref<1x64x128xf32, #tpu.memory_space<vmem>> -> memref<64x128xf32, #tpu.memory_space<vmem>>
        tpu.wait_dma2 semaphore(%arg22 : memref<!tpu.dma_semaphore, #tpu.memory_space<semaphore_mem>>) src(%dma_wait3A_638 : memref<64x128xf32, #tpu.memory_space<vmem>>) dst(%dma_wait3A_634 : memref<64x128xf32, #tpu.memory_space<hbm>>)
        %add3A_639 = arith.constant 8 : i32
        %add3A_640 = arith.addi %mul3A_212, %add3A_639 : i32
        %add3A_641 = arith.constant 6 : i32
        %add3A_642 = arith.addi %add3A_640, %add3A_641 : i32
        %mul3A_643 = arith.constant 64 : i32
        %mul3A_644 = arith.muli %add3A_642, %mul3A_643 : i32
        %dma_start3A_645 = arith.constant 6 : i32
        %dma_start3A_646 = arith.constant 0 : i32
        %dma_start3A_647 = arith.constant 0 : i32
        %dma_start3A_648 = tpu.memref_slice %arg6[%dma_start3A_645, %dma_start3A_646, %dma_start3A_647] : memref<8x64x128xf32, #tpu.memory_space<vmem>> -> memref<1x64x128xf32, #tpu.memory_space<vmem>>
        %dma_start3A_649 = tpu.memref_squeeze %dma_start3A_648 : memref<1x64x128xf32, #tpu.memory_space<vmem>> -> memref<64x128xf32, #tpu.memory_space<vmem>>
        %dma_start3A_650 = tpu.memref_slice %arg5[%mul3A_644] : memref<8192xi32, #tpu.memory_space<vmem>> -> memref<64xi32, #tpu.memory_space<vmem>>
        %dma_start3A_651 = arith.constant 0 : i32
        %dma_start3A_652 = arith.constant 0 : i32
        %dma_start3A_653 = tpu.memref_slice %arg7[%dma_start3A_651, %dma_start3A_652] : memref<1024x128xf32, #tpu.memory_space<vmem_shared>> -> memref<1024x128xf32, #tpu.memory_space<vmem_shared>>
        tpu.enqueue_indirect_dma source(%dma_start3A_653 : memref<1024x128xf32, #tpu.memory_space<vmem_shared>>) target(%dma_start3A_649 : memref<64x128xf32, #tpu.memory_space<vmem>>) offsets(%dma_start3A_650 : memref<64xi32, #tpu.memory_space<vmem>>) semaphore(%arg14 : memref<!tpu.dma_semaphore, #tpu.memory_space<semaphore_mem>>)
        %dma_wait3A_654 = arith.constant 7 : i32
        %dma_wait3A_655 = arith.constant 0 : i32
        %dma_wait3A_656 = arith.constant 0 : i32
        %dma_wait3A_657 = tpu.memref_slice %arg6[%dma_wait3A_654, %dma_wait3A_655, %dma_wait3A_656] : memref<8x64x128xf32, #tpu.memory_space<vmem>> -> memref<1x64x128xf32, #tpu.memory_space<vmem>>
        %dma_wait3A_658 = tpu.memref_squeeze %dma_wait3A_657 : memref<1x64x128xf32, #tpu.memory_space<vmem>> -> memref<64x128xf32, #tpu.memory_space<vmem>>
        %dma_wait3A_659 = arith.constant 0 : i32
        %dma_wait3A_660 = arith.constant 0 : i32
        %dma_wait3A_661 = tpu.memref_slice %arg4[%dma_wait3A_659, %dma_wait3A_660] : memref<262144x128xf32, #tpu.memory_space<hbm>> -> memref<64x128xf32, #tpu.memory_space<hbm>>
        %dma_wait3A_662 = arith.constant 0 : i32
        %dma_wait3A_663 = arith.constant 0 : i32
        %dma_wait3A_664 = tpu.memref_slice %arg4[%dma_wait3A_662, %dma_wait3A_663] : memref<262144x128xf32, #tpu.memory_space<hbm>> -> memref<64x128xf32, #tpu.memory_space<hbm>>
        %dma_wait3A_665 = arith.constant 0 : i32
        %dma_wait3A_666 = arith.constant 0 : i32
        %dma_wait3A_667 = tpu.memref_slice %arg6[%dma_wait3A_654, %dma_wait3A_665, %dma_wait3A_666] : memref<8x64x128xf32, #tpu.memory_space<vmem>> -> memref<1x64x128xf32, #tpu.memory_space<vmem>>
        %dma_wait3A_668 = tpu.memref_squeeze %dma_wait3A_667 : memref<1x64x128xf32, #tpu.memory_space<vmem>> -> memref<64x128xf32, #tpu.memory_space<vmem>>
        tpu.wait_dma2 semaphore(%arg23 : memref<!tpu.dma_semaphore, #tpu.memory_space<semaphore_mem>>) src(%dma_wait3A_668 : memref<64x128xf32, #tpu.memory_space<vmem>>) dst(%dma_wait3A_664 : memref<64x128xf32, #tpu.memory_space<hbm>>)
        %add3A_669 = arith.constant 8 : i32
        %add3A_670 = arith.addi %mul3A_212, %add3A_669 : i32
        %add3A_671 = arith.constant 7 : i32
        %add3A_672 = arith.addi %add3A_670, %add3A_671 : i32
        %mul3A_673 = arith.constant 64 : i32
        %mul3A_674 = arith.muli %add3A_672, %mul3A_673 : i32
        %dma_start3A_675 = arith.constant 7 : i32
        %dma_start3A_676 = arith.constant 0 : i32
        %dma_start3A_677 = arith.constant 0 : i32
        %dma_start3A_678 = tpu.memref_slice %arg6[%dma_start3A_675, %dma_start3A_676, %dma_start3A_677] : memref<8x64x128xf32, #tpu.memory_space<vmem>> -> memref<1x64x128xf32, #tpu.memory_space<vmem>>
        %dma_start3A_679 = tpu.memref_squeeze %dma_start3A_678 : memref<1x64x128xf32, #tpu.memory_space<vmem>> -> memref<64x128xf32, #tpu.memory_space<vmem>>
        %dma_start3A_680 = tpu.memref_slice %arg5[%mul3A_674] : memref<8192xi32, #tpu.memory_space<vmem>> -> memref<64xi32, #tpu.memory_space<vmem>>
        %dma_start3A_681 = arith.constant 0 : i32
        %dma_start3A_682 = arith.constant 0 : i32
        %dma_start3A_683 = tpu.memref_slice %arg7[%dma_start3A_681, %dma_start3A_682] : memref<1024x128xf32, #tpu.memory_space<vmem_shared>> -> memref<1024x128xf32, #tpu.memory_space<vmem_shared>>
        tpu.enqueue_indirect_dma source(%dma_start3A_683 : memref<1024x128xf32, #tpu.memory_space<vmem_shared>>) target(%dma_start3A_679 : memref<64x128xf32, #tpu.memory_space<vmem>>) offsets(%dma_start3A_680 : memref<64xi32, #tpu.memory_space<vmem>>) semaphore(%arg15 : memref<!tpu.dma_semaphore, #tpu.memory_space<semaphore_mem>>)
      } else {
      }
      %scan3A_443 = arith.constant 0 : i32
      scf.yield %scan3A_443 : i32
    }
    %scan3A_89 = arith.constant 16 : i32
    %dma_wait3A = arith.constant 0 : i32
    %dma_wait3A_90 = arith.constant 0 : i32
    %dma_wait3A_91 = arith.constant 0 : i32
    %dma_wait3A_92 = tpu.memref_slice %arg6[%dma_wait3A, %dma_wait3A_90, %dma_wait3A_91] : memref<8x64x128xf32, #tpu.memory_space<vmem>> -> memref<1x64x128xf32, #tpu.memory_space<vmem>>
    %dma_wait3A_93 = tpu.memref_squeeze %dma_wait3A_92 : memref<1x64x128xf32, #tpu.memory_space<vmem>> -> memref<64x128xf32, #tpu.memory_space<vmem>>
    %dma_wait3A_94 = arith.constant 0 : i32
    %dma_wait3A_95 = arith.constant 0 : i32
    %dma_wait3A_96 = tpu.memref_slice %arg4[%dma_wait3A_94, %dma_wait3A_95] : memref<262144x128xf32, #tpu.memory_space<hbm>> -> memref<64x128xf32, #tpu.memory_space<hbm>>
    %dma_wait3A_97 = arith.constant 0 : i32
    %dma_wait3A_98 = arith.constant 0 : i32
    %dma_wait3A_99 = tpu.memref_slice %arg4[%dma_wait3A_97, %dma_wait3A_98] : memref<262144x128xf32, #tpu.memory_space<hbm>> -> memref<64x128xf32, #tpu.memory_space<hbm>>
    %dma_wait3A_100 = arith.constant 0 : i32
    %dma_wait3A_101 = arith.constant 0 : i32
    %dma_wait3A_102 = tpu.memref_slice %arg6[%dma_wait3A, %dma_wait3A_100, %dma_wait3A_101] : memref<8x64x128xf32, #tpu.memory_space<vmem>> -> memref<1x64x128xf32, #tpu.memory_space<vmem>>
    %dma_wait3A_103 = tpu.memref_squeeze %dma_wait3A_102 : memref<1x64x128xf32, #tpu.memory_space<vmem>> -> memref<64x128xf32, #tpu.memory_space<vmem>>
    tpu.wait_dma2 semaphore(%arg16 : memref<!tpu.dma_semaphore, #tpu.memory_space<semaphore_mem>>) src(%dma_wait3A_103 : memref<64x128xf32, #tpu.memory_space<vmem>>) dst(%dma_wait3A_99 : memref<64x128xf32, #tpu.memory_space<hbm>>)
    %dma_wait3A_104 = arith.constant 1 : i32
    %dma_wait3A_105 = arith.constant 0 : i32
    %dma_wait3A_106 = arith.constant 0 : i32
    %dma_wait3A_107 = tpu.memref_slice %arg6[%dma_wait3A_104, %dma_wait3A_105, %dma_wait3A_106] : memref<8x64x128xf32, #tpu.memory_space<vmem>> -> memref<1x64x128xf32, #tpu.memory_space<vmem>>
    %dma_wait3A_108 = tpu.memref_squeeze %dma_wait3A_107 : memref<1x64x128xf32, #tpu.memory_space<vmem>> -> memref<64x128xf32, #tpu.memory_space<vmem>>
    %dma_wait3A_109 = arith.constant 0 : i32
    %dma_wait3A_110 = arith.constant 0 : i32
    %dma_wait3A_111 = tpu.memref_slice %arg4[%dma_wait3A_109, %dma_wait3A_110] : memref<262144x128xf32, #tpu.memory_space<hbm>> -> memref<64x128xf32, #tpu.memory_space<hbm>>
    %dma_wait3A_112 = arith.constant 0 : i32
    %dma_wait3A_113 = arith.constant 0 : i32
    %dma_wait3A_114 = tpu.memref_slice %arg4[%dma_wait3A_112, %dma_wait3A_113] : memref<262144x128xf32, #tpu.memory_space<hbm>> -> memref<64x128xf32, #tpu.memory_space<hbm>>
    %dma_wait3A_115 = arith.constant 0 : i32
    %dma_wait3A_116 = arith.constant 0 : i32
    %dma_wait3A_117 = tpu.memref_slice %arg6[%dma_wait3A_104, %dma_wait3A_115, %dma_wait3A_116] : memref<8x64x128xf32, #tpu.memory_space<vmem>> -> memref<1x64x128xf32, #tpu.memory_space<vmem>>
    %dma_wait3A_118 = tpu.memref_squeeze %dma_wait3A_117 : memref<1x64x128xf32, #tpu.memory_space<vmem>> -> memref<64x128xf32, #tpu.memory_space<vmem>>
    tpu.wait_dma2 semaphore(%arg17 : memref<!tpu.dma_semaphore, #tpu.memory_space<semaphore_mem>>) src(%dma_wait3A_118 : memref<64x128xf32, #tpu.memory_space<vmem>>) dst(%dma_wait3A_114 : memref<64x128xf32, #tpu.memory_space<hbm>>)
    %dma_wait3A_119 = arith.constant 2 : i32
    %dma_wait3A_120 = arith.constant 0 : i32
    %dma_wait3A_121 = arith.constant 0 : i32
    %dma_wait3A_122 = tpu.memref_slice %arg6[%dma_wait3A_119, %dma_wait3A_120, %dma_wait3A_121] : memref<8x64x128xf32, #tpu.memory_space<vmem>> -> memref<1x64x128xf32, #tpu.memory_space<vmem>>
    %dma_wait3A_123 = tpu.memref_squeeze %dma_wait3A_122 : memref<1x64x128xf32, #tpu.memory_space<vmem>> -> memref<64x128xf32, #tpu.memory_space<vmem>>
    %dma_wait3A_124 = arith.constant 0 : i32
    %dma_wait3A_125 = arith.constant 0 : i32
    %dma_wait3A_126 = tpu.memref_slice %arg4[%dma_wait3A_124, %dma_wait3A_125] : memref<262144x128xf32, #tpu.memory_space<hbm>> -> memref<64x128xf32, #tpu.memory_space<hbm>>
    %dma_wait3A_127 = arith.constant 0 : i32
    %dma_wait3A_128 = arith.constant 0 : i32
    %dma_wait3A_129 = tpu.memref_slice %arg4[%dma_wait3A_127, %dma_wait3A_128] : memref<262144x128xf32, #tpu.memory_space<hbm>> -> memref<64x128xf32, #tpu.memory_space<hbm>>
    %dma_wait3A_130 = arith.constant 0 : i32
    %dma_wait3A_131 = arith.constant 0 : i32
    %dma_wait3A_132 = tpu.memref_slice %arg6[%dma_wait3A_119, %dma_wait3A_130, %dma_wait3A_131] : memref<8x64x128xf32, #tpu.memory_space<vmem>> -> memref<1x64x128xf32, #tpu.memory_space<vmem>>
    %dma_wait3A_133 = tpu.memref_squeeze %dma_wait3A_132 : memref<1x64x128xf32, #tpu.memory_space<vmem>> -> memref<64x128xf32, #tpu.memory_space<vmem>>
    tpu.wait_dma2 semaphore(%arg18 : memref<!tpu.dma_semaphore, #tpu.memory_space<semaphore_mem>>) src(%dma_wait3A_133 : memref<64x128xf32, #tpu.memory_space<vmem>>) dst(%dma_wait3A_129 : memref<64x128xf32, #tpu.memory_space<hbm>>)
    %dma_wait3A_134 = arith.constant 3 : i32
    %dma_wait3A_135 = arith.constant 0 : i32
    %dma_wait3A_136 = arith.constant 0 : i32
    %dma_wait3A_137 = tpu.memref_slice %arg6[%dma_wait3A_134, %dma_wait3A_135, %dma_wait3A_136] : memref<8x64x128xf32, #tpu.memory_space<vmem>> -> memref<1x64x128xf32, #tpu.memory_space<vmem>>
    %dma_wait3A_138 = tpu.memref_squeeze %dma_wait3A_137 : memref<1x64x128xf32, #tpu.memory_space<vmem>> -> memref<64x128xf32, #tpu.memory_space<vmem>>
    %dma_wait3A_139 = arith.constant 0 : i32
    %dma_wait3A_140 = arith.constant 0 : i32
    %dma_wait3A_141 = tpu.memref_slice %arg4[%dma_wait3A_139, %dma_wait3A_140] : memref<262144x128xf32, #tpu.memory_space<hbm>> -> memref<64x128xf32, #tpu.memory_space<hbm>>
    %dma_wait3A_142 = arith.constant 0 : i32
    %dma_wait3A_143 = arith.constant 0 : i32
    %dma_wait3A_144 = tpu.memref_slice %arg4[%dma_wait3A_142, %dma_wait3A_143] : memref<262144x128xf32, #tpu.memory_space<hbm>> -> memref<64x128xf32, #tpu.memory_space<hbm>>
    %dma_wait3A_145 = arith.constant 0 : i32
    %dma_wait3A_146 = arith.constant 0 : i32
    %dma_wait3A_147 = tpu.memref_slice %arg6[%dma_wait3A_134, %dma_wait3A_145, %dma_wait3A_146] : memref<8x64x128xf32, #tpu.memory_space<vmem>> -> memref<1x64x128xf32, #tpu.memory_space<vmem>>
    %dma_wait3A_148 = tpu.memref_squeeze %dma_wait3A_147 : memref<1x64x128xf32, #tpu.memory_space<vmem>> -> memref<64x128xf32, #tpu.memory_space<vmem>>
    tpu.wait_dma2 semaphore(%arg19 : memref<!tpu.dma_semaphore, #tpu.memory_space<semaphore_mem>>) src(%dma_wait3A_148 : memref<64x128xf32, #tpu.memory_space<vmem>>) dst(%dma_wait3A_144 : memref<64x128xf32, #tpu.memory_space<hbm>>)
    %dma_wait3A_149 = arith.constant 4 : i32
    %dma_wait3A_150 = arith.constant 0 : i32
    %dma_wait3A_151 = arith.constant 0 : i32
    %dma_wait3A_152 = tpu.memref_slice %arg6[%dma_wait3A_149, %dma_wait3A_150, %dma_wait3A_151] : memref<8x64x128xf32, #tpu.memory_space<vmem>> -> memref<1x64x128xf32, #tpu.memory_space<vmem>>
    %dma_wait3A_153 = tpu.memref_squeeze %dma_wait3A_152 : memref<1x64x128xf32, #tpu.memory_space<vmem>> -> memref<64x128xf32, #tpu.memory_space<vmem>>
    %dma_wait3A_154 = arith.constant 0 : i32
    %dma_wait3A_155 = arith.constant 0 : i32
    %dma_wait3A_156 = tpu.memref_slice %arg4[%dma_wait3A_154, %dma_wait3A_155] : memref<262144x128xf32, #tpu.memory_space<hbm>> -> memref<64x128xf32, #tpu.memory_space<hbm>>
    %dma_wait3A_157 = arith.constant 0 : i32
    %dma_wait3A_158 = arith.constant 0 : i32
    %dma_wait3A_159 = tpu.memref_slice %arg4[%dma_wait3A_157, %dma_wait3A_158] : memref<262144x128xf32, #tpu.memory_space<hbm>> -> memref<64x128xf32, #tpu.memory_space<hbm>>
    %dma_wait3A_160 = arith.constant 0 : i32
    %dma_wait3A_161 = arith.constant 0 : i32
    %dma_wait3A_162 = tpu.memref_slice %arg6[%dma_wait3A_149, %dma_wait3A_160, %dma_wait3A_161] : memref<8x64x128xf32, #tpu.memory_space<vmem>> -> memref<1x64x128xf32, #tpu.memory_space<vmem>>
    %dma_wait3A_163 = tpu.memref_squeeze %dma_wait3A_162 : memref<1x64x128xf32, #tpu.memory_space<vmem>> -> memref<64x128xf32, #tpu.memory_space<vmem>>
    tpu.wait_dma2 semaphore(%arg20 : memref<!tpu.dma_semaphore, #tpu.memory_space<semaphore_mem>>) src(%dma_wait3A_163 : memref<64x128xf32, #tpu.memory_space<vmem>>) dst(%dma_wait3A_159 : memref<64x128xf32, #tpu.memory_space<hbm>>)
    %dma_wait3A_164 = arith.constant 5 : i32
    %dma_wait3A_165 = arith.constant 0 : i32
    %dma_wait3A_166 = arith.constant 0 : i32
    %dma_wait3A_167 = tpu.memref_slice %arg6[%dma_wait3A_164, %dma_wait3A_165, %dma_wait3A_166] : memref<8x64x128xf32, #tpu.memory_space<vmem>> -> memref<1x64x128xf32, #tpu.memory_space<vmem>>
    %dma_wait3A_168 = tpu.memref_squeeze %dma_wait3A_167 : memref<1x64x128xf32, #tpu.memory_space<vmem>> -> memref<64x128xf32, #tpu.memory_space<vmem>>
    %dma_wait3A_169 = arith.constant 0 : i32
    %dma_wait3A_170 = arith.constant 0 : i32
    %dma_wait3A_171 = tpu.memref_slice %arg4[%dma_wait3A_169, %dma_wait3A_170] : memref<262144x128xf32, #tpu.memory_space<hbm>> -> memref<64x128xf32, #tpu.memory_space<hbm>>
    %dma_wait3A_172 = arith.constant 0 : i32
    %dma_wait3A_173 = arith.constant 0 : i32
    %dma_wait3A_174 = tpu.memref_slice %arg4[%dma_wait3A_172, %dma_wait3A_173] : memref<262144x128xf32, #tpu.memory_space<hbm>> -> memref<64x128xf32, #tpu.memory_space<hbm>>
    %dma_wait3A_175 = arith.constant 0 : i32
    %dma_wait3A_176 = arith.constant 0 : i32
    %dma_wait3A_177 = tpu.memref_slice %arg6[%dma_wait3A_164, %dma_wait3A_175, %dma_wait3A_176] : memref<8x64x128xf32, #tpu.memory_space<vmem>> -> memref<1x64x128xf32, #tpu.memory_space<vmem>>
    %dma_wait3A_178 = tpu.memref_squeeze %dma_wait3A_177 : memref<1x64x128xf32, #tpu.memory_space<vmem>> -> memref<64x128xf32, #tpu.memory_space<vmem>>
    tpu.wait_dma2 semaphore(%arg21 : memref<!tpu.dma_semaphore, #tpu.memory_space<semaphore_mem>>) src(%dma_wait3A_178 : memref<64x128xf32, #tpu.memory_space<vmem>>) dst(%dma_wait3A_174 : memref<64x128xf32, #tpu.memory_space<hbm>>)
    %dma_wait3A_179 = arith.constant 6 : i32
    %dma_wait3A_180 = arith.constant 0 : i32
    %dma_wait3A_181 = arith.constant 0 : i32
    %dma_wait3A_182 = tpu.memref_slice %arg6[%dma_wait3A_179, %dma_wait3A_180, %dma_wait3A_181] : memref<8x64x128xf32, #tpu.memory_space<vmem>> -> memref<1x64x128xf32, #tpu.memory_space<vmem>>
    %dma_wait3A_183 = tpu.memref_squeeze %dma_wait3A_182 : memref<1x64x128xf32, #tpu.memory_space<vmem>> -> memref<64x128xf32, #tpu.memory_space<vmem>>
    %dma_wait3A_184 = arith.constant 0 : i32
    %dma_wait3A_185 = arith.constant 0 : i32
    %dma_wait3A_186 = tpu.memref_slice %arg4[%dma_wait3A_184, %dma_wait3A_185] : memref<262144x128xf32, #tpu.memory_space<hbm>> -> memref<64x128xf32, #tpu.memory_space<hbm>>
    %dma_wait3A_187 = arith.constant 0 : i32
    %dma_wait3A_188 = arith.constant 0 : i32
    %dma_wait3A_189 = tpu.memref_slice %arg4[%dma_wait3A_187, %dma_wait3A_188] : memref<262144x128xf32, #tpu.memory_space<hbm>> -> memref<64x128xf32, #tpu.memory_space<hbm>>
    %dma_wait3A_190 = arith.constant 0 : i32
    %dma_wait3A_191 = arith.constant 0 : i32
    %dma_wait3A_192 = tpu.memref_slice %arg6[%dma_wait3A_179, %dma_wait3A_190, %dma_wait3A_191] : memref<8x64x128xf32, #tpu.memory_space<vmem>> -> memref<1x64x128xf32, #tpu.memory_space<vmem>>
    %dma_wait3A_193 = tpu.memref_squeeze %dma_wait3A_192 : memref<1x64x128xf32, #tpu.memory_space<vmem>> -> memref<64x128xf32, #tpu.memory_space<vmem>>
    tpu.wait_dma2 semaphore(%arg22 : memref<!tpu.dma_semaphore, #tpu.memory_space<semaphore_mem>>) src(%dma_wait3A_193 : memref<64x128xf32, #tpu.memory_space<vmem>>) dst(%dma_wait3A_189 : memref<64x128xf32, #tpu.memory_space<hbm>>)
    %dma_wait3A_194 = arith.constant 7 : i32
    %dma_wait3A_195 = arith.constant 0 : i32
    %dma_wait3A_196 = arith.constant 0 : i32
    %dma_wait3A_197 = tpu.memref_slice %arg6[%dma_wait3A_194, %dma_wait3A_195, %dma_wait3A_196] : memref<8x64x128xf32, #tpu.memory_space<vmem>> -> memref<1x64x128xf32, #tpu.memory_space<vmem>>
    %dma_wait3A_198 = tpu.memref_squeeze %dma_wait3A_197 : memref<1x64x128xf32, #tpu.memory_space<vmem>> -> memref<64x128xf32, #tpu.memory_space<vmem>>
    %dma_wait3A_199 = arith.constant 0 : i32
    %dma_wait3A_200 = arith.constant 0 : i32
    %dma_wait3A_201 = tpu.memref_slice %arg4[%dma_wait3A_199, %dma_wait3A_200] : memref<262144x128xf32, #tpu.memory_space<hbm>> -> memref<64x128xf32, #tpu.memory_space<hbm>>
    %dma_wait3A_202 = arith.constant 0 : i32
    %dma_wait3A_203 = arith.constant 0 : i32
    %dma_wait3A_204 = tpu.memref_slice %arg4[%dma_wait3A_202, %dma_wait3A_203] : memref<262144x128xf32, #tpu.memory_space<hbm>> -> memref<64x128xf32, #tpu.memory_space<hbm>>
    %dma_wait3A_205 = arith.constant 0 : i32
    %dma_wait3A_206 = arith.constant 0 : i32
    %dma_wait3A_207 = tpu.memref_slice %arg6[%dma_wait3A_194, %dma_wait3A_205, %dma_wait3A_206] : memref<8x64x128xf32, #tpu.memory_space<vmem>> -> memref<1x64x128xf32, #tpu.memory_space<vmem>>
    %dma_wait3A_208 = tpu.memref_squeeze %dma_wait3A_207 : memref<1x64x128xf32, #tpu.memory_space<vmem>> -> memref<64x128xf32, #tpu.memory_space<vmem>>
    tpu.wait_dma2 semaphore(%arg23 : memref<!tpu.dma_semaphore, #tpu.memory_space<semaphore_mem>>) src(%dma_wait3A_208 : memref<64x128xf32, #tpu.memory_space<vmem>>) dst(%dma_wait3A_204 : memref<64x128xf32, #tpu.memory_space<hbm>>)
    return
  }
}

module attributes {stable_mosaic.version = 14 : i64} {
  func.func @_mask_eos_body(%arg0: memref<512x512xi32, #tpu.memory_space<vmem>>, %arg1: memref<512x512xi32, #tpu.memory_space<vmem>>, %arg2: memref<512x512xf32, #tpu.memory_space<vmem>>) attributes {dimension_semantics = [], scalar_prefetch = 0 : i64, scratch_operands = 0 : i64, tpu.core_type = #tpu.core_type<tc>} {
    %get3A = arith.constant 0 : index
    %get3A_0 = arith.constant 0 : index
    %get3A_1 = vector.load %arg0[%get3A, %get3A_0] : memref<512x512xi32, #tpu.memory_space<vmem>>, vector<512x512xi32>
    %eq3A = arith.constant 0 : i32
    %eq3A_2 = vector.broadcast %eq3A : i32 to vector<512x512xi32>
    %eq3A_3 = arith.cmpi eq, %get3A_1, %eq3A_2 : vector<512x512xi32>
    %swap3A = arith.constant 0 : index
    %swap3A_4 = arith.constant 0 : index
    %swap3A_5 = vector.load %arg1[%swap3A, %swap3A_4] : memref<512x512xi32, #tpu.memory_space<vmem>>, vector<512x512xi32>
    %swap3A_6 = arith.extui %eq3A_3 : vector<512x512xi1> to vector<512x512xi32>
    %swap3A_7 = arith.constant dense<0> : vector<512x512xi32>
    %swap3A_8 = arith.cmpi ne, %swap3A_5, %swap3A_7 : vector<512x512xi32>
    tpu.vector_store %arg1[%swap3A, %swap3A_4], %swap3A_6 {strides = array<i32>} : memref<512x512xi32, #tpu.memory_space<vmem>>, vector<512x512xi32>,
    %eq3A_9 = arith.constant 1 : i32
    %eq3A_10 = vector.broadcast %eq3A_9 : i32 to vector<512x512xi32>
    %eq3A_11 = arith.cmpi eq, %get3A_1, %eq3A_10 : vector<512x512xi32>
    %convert_element_type3A = arith.extui %eq3A_11 : vector<512x512xi1> to vector<512x512xi32>
    %convert_element_type3A_12 = arith.sitofp %convert_element_type3A : vector<512x512xi32> to vector<512x512xf32>
    %swap3A_13 = arith.constant 0 : index
    %swap3A_14 = arith.constant 0 : index
    %swap3A_15 = vector.load %arg2[%swap3A_13, %swap3A_14] : memref<512x512xf32, #tpu.memory_space<vmem>>, vector<512x512xf32>
    tpu.vector_store %arg2[%swap3A_13, %swap3A_14], %convert_element_type3A_12 {strides = array<i32>} : memref<512x512xf32, #tpu.memory_space<vmem>>, vector<512x512xf32>,
    return
  }
}

</mosaic_0001>

<sc_bundles>
// kernel: kernel.4.cloned.1.call-start
scs
__scs_entry_jumppad:
0x0: {  	(pc) =	sbr.rel $0x88, $3  }
0x1: {  	(tag) =	ssettag $0x0;
	lr =	simm.s32 $0x1  }
0x2: {  	[smem:$0x3F9F] =	sst lr;
	_ =	strace $0xD0000000  }
0x3: {  	_ = 	snop  }
0x4: {  	_ = 	snop  }
0x5: {  	_ = 	snop  }
0x6: {  	_ = 	snop  }
0x7: {  	_ = 	snop  }
__scs_overlays_trampoline_lowered:
0x8: {  	[smem:$0x3FAE] =	sst s0  }
0x9: {  	[smem:$0x3FAF] =	sst s1  }
0xa: {  	[smem:$0x3FB0] =	sst s2  }
0xb: {  	[smem:$0x3FB1] =	sst s3  }
0xc: {  	[smem:$0x3FB2] =	sst s4  }
0xd: {  	[smem:$0x3FB3] =	sst s5  }
0xe: {  	[smem:$0x3FB4] =	sst s6  }
0xf: {  	[smem:$0x3FB5] =	sst s7  }
0x10: {  	[smem:$0x3FB6] =	sst s8  }
0x11: {  	[smem:$0x3FB7] =	sst s9;
	s0 =	simm.s32 @!p0 $0x0  }
0x12: {  	s1 =	sld [smem:$0x3F9D];
	s0 =	simm.s32 @p0 $0x1  }
0x13: {  	[smem:$0x3FB8] =	sst s0;
	s0 =	simm.s32 @!p1 $0x0  }
0x14: {  	s2 =	sld [smem:$0x3F9C];
	s0 =	simm.s32 @p1 $0x1  }
0x15: {  	[smem:$0x3FB9] =	sst s0;
	s0 =	simm.s32 @!p2 $0x0  }
0x16: {  	s3 =	sld [smem:$0x3FDB];
	s0 =	simm.s32 @p2 $0x1  }
0x17: {  	s4 =	simm.s32 $0x1BF5;
	[smem:$0x3FBB] =	sst s0  }
0x18: {  	s0 =	sld [smem:$0x3F9E];
	_ =	swait.ge [sflag:s4], $0x0  }
0x19: {  	s7 =	sld [smem:$0x3F9F]  }
0x1a: {  	s8 =	sadd.s32 $0xFFFFE003, lr  }
0x1b: {  	s9 =	sadd.s32 $0xFFFFFEF7, lr;
	s5 =	simm.s32 $0xFFFFFFFF;
	p2 =	slt.u32 s8, $0xFFFFF086  }
0x1c: {  	p1 =	slt.u32 s9, $0xF7A;
	s5 =	simm.s32 @!p2 $0x0  }
0x1d: {  	s5 =	simm.s32 @p1 $0x1;
	p0 =	seq.s32 s7, s2  }
0x1e: {  	s7 =	smul.u32 @!p0 $0xF7A, s2;
	p2 =	seq.s32 @!p0 s5, $0x0  }
0x1f: {  	s9 =	smul.u32 $0xF7A, s1;
	s8 =	simm.s32 @!p0 $0x1BF5;
	p2 =	por !p2, p0  }
0x20: {  	[sflag:s8] =	ssyncset.s32 @!p0 $0xFFFFF086;
	s6 =	sadd.s32 @!p0 s3, s7;
	s7 =	simm.s32 @!p0 $0x108  }
0x21: {  	s3 =	sadd.s32 s3, s9;
	s6 =	sadd.s32 @!p0 $0x88, s6;
	s7 =	simm.s32 @p2 $0x1082  }
0x22: {  	[simem:s7], [sflag:s8] =	dma.local @!p0 [hbm:s6], $0xF7A  }
0x23: {  	s9 =	sor.u32 $0xD0000000, s2;
	s6 =	simm.s32 $0x108;
	_ =	swait.ge @!p0 [sflag:s8], $0x0  }
0x24: {  	s3 =	sadd.s32 $0x88, s3;
	s6 =	simm.s32 @!p1 $0x1082;
	[sflag:s4] =	ssyncset.s32 $0xFFFFF086  }
0x25: {  	[simem:s6], [sflag:s4] =	dma.local [hbm:s3], $0xF7A  }
0x26: {  	[smem:$0x3F9F] =	sst s1;
	(tag) =	ssettag s2;
	_ =	strace s9  }
0x27: {  	s1 =	sld [smem:$0x3FAF]  }
0x28: {  	s2 =	sld [smem:$0x3FB0]  }
0x29: {  	s4 =	sld [smem:$0x3FB2]  }
0x2a: {  	p0 =	seq.s32 s5, $0x0;
	s5 =	sld [smem:$0x3FB3]  }
0x2b: {  	s6 =	sld [smem:$0x3FB4]  }
0x2c: {  	s7 =	sld [smem:$0x3FB5]  }
0x2d: {  	s3 =	simm.s32 $0x108;
	s8 =	sld [smem:$0x3FB6]  }
0x2e: {  	s3 =	simm.s32 @!p0 $0x1082;
	s9 =	sld [smem:$0x3FB7]  }
0x2f: {  	lr =	sadd.s32 s0, s3;
	s0 =	sld [smem:$0x3FAE]  }
0x30: {  	s3 =	sld [smem:$0x3FB1]  }
0x31: {  	[smem:$0x3FBA] =	sst s10  }
0x32: {  	s10 =	sld [smem:$0x3FB8];
	_ =	sdelay $0x3  }
0x33: {  	p0 =	seq.s32 s10, $0x1;
	s10 =	sld [smem:$0x3FBA];
	_ =	sdelay $0x3  }
0x34: {  	[smem:$0x3FBA] =	sst s10  }
0x35: {  	s10 =	sld [smem:$0x3FB9];
	_ =	sdelay $0x3  }
0x36: {  	p1 =	seq.s32 s10, $0x1;
	s10 =	sld [smem:$0x3FBA];
	_ =	sdelay $0x3  }
0x37: {  	[smem:$0x3FBA] =	sst s10  }
0x38: {  	s10 =	sld [smem:$0x3FBB]  }
0x39: {  	_ = 	snop;
	(pc) =	sbr.ind lr, $3  }
0x3a: {  	_ = 	snop  }
0x3b: {  	_ = 	snop  }
0x3c: {  	p2 =	seq.s32 s10, $0x1;
	s10 =	sld [smem:$0x3FBA]  }
0x3d: {  	_ =	shalt  }
0x3e: {  	_ =	shalt  }
0x3f: {  	_ =	shalt  }
0x40: {  	_ =	shalt  }
0x41: {  	_ =	shalt  }
0x42: {  	_ =	shalt  }
0x43: {  	_ =	shalt  }
0x44: {  	_ =	shalt  }
0x45: {  	_ =	shalt  }
0x46: {  	_ =	shalt  }
0x47: {  	_ =	shalt  }
0x48: {  	_ =	shalt  }
0x49: {  	_ =	shalt  }
0x4a: {  	_ =	shalt  }
0x4b: {  	_ =	shalt  }
0x4c: {  	_ =	shalt  }
0x4d: {  	_ =	shalt  }
0x4e: {  	_ =	shalt  }
0x4f: {  	_ =	shalt  }
0x50: {  	_ =	shalt  }
0x51: {  	_ =	shalt  }
0x52: {  	_ =	shalt  }
0x53: {  	_ =	shalt  }
0x54: {  	_ =	shalt  }
0x55: {  	_ =	shalt  }
0x56: {  	_ =	shalt  }
0x57: {  	_ =	shalt  }
0x58: {  	_ =	shalt  }
0x59: {  	_ =	shalt  }
0x5a: {  	_ =	shalt  }
0x5b: {  	_ =	shalt  }
0x5c: {  	_ =	shalt  }
0x5d: {  	_ =	shalt  }
0x5e: {  	_ =	shalt  }
0x5f: {  	_ =	shalt  }
0x60: {  	_ =	shalt  }
0x61: {  	_ =	shalt  }
0x62: {  	_ =	shalt  }
0x63: {  	_ =	shalt  }
0x64: {  	_ =	shalt  }
0x65: {  	_ =	shalt  }
0x66: {  	_ =	shalt  }
0x67: {  	_ =	shalt  }
0x68: {  	_ =	shalt  }
0x69: {  	_ =	shalt  }
0x6a: {  	_ =	shalt  }
0x6b: {  	_ =	shalt  }
0x6c: {  	_ =	shalt  }
0x6d: {  	_ =	shalt  }
0x6e: {  	_ =	shalt  }
0x6f: {  	_ =	shalt  }
0x70: {  	_ =	shalt  }
0x71: {  	_ =	shalt  }
0x72: {  	_ =	shalt  }
0x73: {  	_ =	shalt  }
0x74: {  	_ =	shalt  }
0x75: {  	_ =	shalt  }
0x76: {  	_ =	shalt  }
0x77: {  	_ =	shalt  }
0x78: {  	_ =	shalt  }
0x79: {  	_ =	shalt  }
0x7a: {  	_ =	shalt  }
0x7b: {  	_ =	shalt  }
0x7c: {  	_ =	shalt  }
0x7d: {  	_ =	shalt  }
0x7e: {  	_ =	shalt  }
0x7f: {  	_ =	shalt  }
0x80: {  	_ =	shalt  }
0x81: {  	_ =	shalt  }
0x82: {  	_ =	shalt  }
0x83: {  	_ =	shalt  }
0x84: {  	_ =	shalt  }
0x85: {  	_ =	shalt  }
0x86: {  	_ =	shalt  }
0x87: {  	_ =	shalt  }
.Lfunc_end0:
.L_simem_size_0:
called_computation_lowered:
.L_overlay_start_0:
0x88: {  	s2 =	sld [smem:$0x3FD9]  }
0x89: {  	s3 =	sld [smem:$0x3FFE];
	_ =	sdelay $0x1  }
0x8a: {  	s1 =	srdreg.scid  }
0x8b: {  	s0 =	sand.u32 $0x1, s1  }
0x8c: {  	s15 =	sshll.u32 s0, $0xA;
	s2 =	sadd.s32 s3, s2  }
0x8d: {  	s2 =	sadd.s32 s2, s15  }
0x8e: {  	[smem:$0x3FC6] =	sst s2  }
0x8f: {  	_ = 	snop  }
0x90: {  	s2 =	sld [smem:$0x3FD0];
	_ =	sdelay $0x2  }
0x91: {  	s4 =	simm.s32 $0xA;
	s5 =	simm.s32 $0x10;
	s16 =	sld [smem:$0x3FC8]  }
0x92: {  	[smem:s5], [sflag:s4] =	dma.local [hbm:s2], $0x1  }
0x93: {  	_ =	swait.eq [sflag:s4], $0x1  }
0x94: {  	[sflag:s4] =	ssyncset.done $0x0  }
0x95: {  	s17 =	sld [smem:$0x10];
	[sflag:s4] =	ssyncadd.s32 $0xFFFFFFFF  }
0x96: {  	s18 =	sld [smem:$0x14];
	(tm) =	ssettm $0x1  }
0x97: {  	s19 =	sld [smem:$0x3FFB];
	_ =	sdelay $0x3  }
0x98: {  	_ =	strace s19  }
0x99: {  	s5 =	sld [smem:$0x3FFC];
	_ =	sdelay $0x3  }
0x9a: {  	_ =	strace s5  }
0x9b: {  	s5 =	sld [smem:$0x3FFD];
	_ =	sdelay $0x3  }
0x9c: {  	_ =	strace s5  }
0x9d: {  	_ =	strace $0x8FFFFFFF  }
0x9e: {  	s20 =	sld [smem:$0x3FDB];
	_ =	sdelay $0x1  }
0x9f: {  	s6 =	simm.s32 $_scs_section_size  }
0xa0: {  	s7 =	simm.s32 $_size__tile_overlayer_lowered;
	s8 =	simm.s32 $_tile_overlayer_lowered  }
0xa1: {  	s23 =	simm.s32 $0x1BFF;
	s22 =	sshll.u32 s8, $0x1;
	s5 =	sadd.s32 s6, s20  }
0xa2: {  	s9 =	simm.s32 $0x0;
	s21 =	sshll.u32 s7, $0x1;
	s7 =	sadd.s32 s22, s5  }
0xa3: {  	[timem:s9], [sflag:s23] =	dma.local [hbm:s7], s21  }
0xa4: {  	_ =	swait.ge [sflag:s23], s21  }
0xa5: {  	s6 =	ssub.s32 $0x0, s21;
	[sflag:s23] =	ssyncset.done $0x0  }
0xa6: {  	[sflag:s23] =	ssyncadd.s32 s6;
	_ =	sdelay $0x1  }
0xa7: {  	s24 =	simm.s32 $0x1B8B  }
0xa8: {  	_ =	swait.ge [sflag:s24], $0x1  }
0xa9: {  	[sflag:s24] =	ssyncset.done $0x0  }
0xaa: {  	s25 =	simm.s32 $0x1B8E;
	[sflag:s24] =	ssyncadd.s32 $0xFFFFFFFF  }
0xab: {  	s26 =	simm.s32 $execute0_lowered;
	[smem:$0x3FD2] =	sst s25  }
0xac: {  	s6 =	sshll.u32 s26, $0x1;
	_ =	strace $0x80000046;
	[dreg:$0x1] =	wrdreg $0xFFFFFFFF  }
0xad: {  	s28 =	simm.s32 $_size_execute0_lowered;
	s5 =	sadd.s32 s5, s6;
	[dreg:$0x0] =	wrdreg $0x0  }
0xae: {  	s6 =	sshll.u32 s28, $0x1;
	[dreg:$0x2] =	wrdreg s5  }
0xaf: {  	[dreg:$0x3] =	wrdreg s6  }
0xb0: {  	[dreg:$0x4] =	wrdreg $0xC0  }
0xb1: {  	_ =	task [dreg:s9], $0x5FFFF  }
0xb2: {  	[dreg:$0x1] =	wrdreg $0xFFFFFFFF  }
0xb3: {  	[dreg:$0x0] =	wrdreg $0x60  }
0xb4: {  	[dreg:$0x2] =	wrdreg s18  }
0xb5: {  	[dreg:$0x3] =	wrdreg s16  }
0xb6: {  	[dreg:$0x4] =	wrdreg s17  }
0xb7: {  	[dreg:$0x5] =	wrdreg $0x120000  }
0xb8: {  	[dreg:$0x6] =	wrdreg $0x9  }
0xb9: {  	_ =	task.clear_ibuf [dreg:s9], $0x7FFFF;
	_ =	strace $0x90000046  }
0xba: {  	s29 =	simm.s32 $0x9;
	_ =	strace $0x80000048  }
0xbb: {  	_ =	swait.ge [sflag:s29], $0x1  }
0xbc: {  	[sflag:s29] =	ssyncadd.s32 $0xFFFFFFFF  }
0xbd: {  	_ =	strace $0x90000048  }
0xbe: {  	_ =	sfence  }
0xbf: {  	s30 =	sld [smem:$0x0];
	_ =	sdelay $0x2  }
0xc0: {  	s31 =	sshll.u32 s1, $0xD;
	s1 =	sshrl.u32 s1, $0x2  }
0xc1: {  	s3 =	sand.u32 $0x4000, s31;
	s1 =	sadd.s32 s1, s30  }
0xc2: {  	s0 =	sor.u32 s3, s0;
	s1 =	sshll.u32 s1, $0x11  }
0xc3: {  	s0 =	sor.u32 s1, s0  }
0xc4: {  	s0 =	sadd.s32 $0x8F2B, s0  }
0xc5: {  	[sflag:s0] =	ssyncadd.remote.s32 $0x1  }
0xc6: {  	_ =	sfence.sel $0xFFFF  }
0xc7: {  	[dreg:$0x0] =	wrdreg $0xFFFFFFFF;
	(pc) =	sbr.abs _section_cstart, $3  }
0xc8: {  	[dreg:$0x1] =	wrdreg $0xFFFFFFFF  }
0xc9: {  	_ =	task.clear_ibuf [dreg:s9], $0x2FFFF;
	_ =	strace $0x9FFFFFFF  }
0xca: {  	(tm) =	ssettm $0x7FFFFFFF  }
0xcb: {  	_ =	shalt  }
tec
execute0_lowered:
.L_overlay_start_1:
0x0: {  	(tag) =	ssettag $0x1  }
0x1: {  	s0 =	rddreg [dreg:$0x0]  }
0x2: {  	s1 =	rddreg [dreg:$0x2]  }
0x3: {  	s2 =	rddreg [dreg:$0x3];
	s3 =	simm.s32 $0x0  }
0x4: {  	s4 =	srdreg.scid;
	s5 =	stileid.u32;
	s10 =	simm.s32 $0x2000  }
0x5: {  	s11 =	simm.s32 $0x4000;
	s13 =	simm.s32 $0x6000;
	s15 =	simm.s32 $0x8000  }
0x6: {  	s17 =	simm.s32 $0xA000;
	s19 =	simm.s32 $0xC000;
	s21 =	simm.s32 $0xE000  }
0x7: {  	s28 =	simm.s32 $0x4;
	s29 =	simm.s32 $0x5;
	s30 =	simm.s32 $0x6  }
0x8: {  	s31 =	simm.s32 $0x7;
	s16 =	simm.s32 $0xC;
	s18 =	simm.s32 $0xD  }
0x9: {  	s20 =	simm.s32 $0xE;
	s22 =	simm.s32 $0xF;
	[smem:$0x7FF] =	sst s3  }
0xa: {  	s4 =	sand.u32 $0x1, s4;
	s8 =	sshll.u32 s5, $0xE;
	s24 =	sshll.u32 s5, $0x12  }
0xb: {  	p0 =	sne.s32 s5, $0x0;
	s5 =	simm.s32 $0x0;
	_ =	strace $0x80000047  }
0xc: {  	s6 =	ssub.s32 $0x2, s4;
	s9 =	sshll.u32 s4, $0xD;
	s1 =	sadd.s32 s24, s1  }
0xd: {  	s4 =	sshll.u32 s4, $0x11;
	s7 =	sshrl.u32 s6, $0x1;
	s23 =	sor.u32 s9, s8  }
0xe: {  	s24 =	simm.s32 $0x1;
	s6 =	ssub.s32 s6, s7;
	s7 =	sshrl.u32 s23, $0x3  }
0xf: {  	s25 =	sadd.s32 s4, s1;
	s9 =	simm.s32 $0x40;
	s0 =	sadd.s32 s0, s7  }
0x10: {  	s4 =	simm.s32 $0x10;
	s26 =	smax.u32 s6, $0x1;
	[dreg:$0x5] =	wrdreg s0  }
0x11: {  	s23 =	simm.s32 $0x10000;
	[dreg:$0x6] =	wrdreg s26;
	s0 =	sadd.s32 $0x1C00, s25  }
0x12: {  	s25 =	simm.s32 $0x2;
	[dreg:$0x7] =	wrdreg s0;
	s0 =	sshrl.u32 @!p0 s2, $0x3  }
0x13: {  	s26 =	simm.s32 $0x3;
	[dreg:$0x8] =	wrdreg s0;
	s0 =	simm.s32 $0x8  }
.LBB2_1:
0x14: {  	s1 =	rddreg [dreg:$0x1]  }
0x15: {  	s6 =	simm.s32 @!p0 $0x1C11;
	s7 =	rddreg [dreg:$0x8]  }
0x16: {  	[spmem:s7], [sflag:s6] =	dma.local @!p0 [hbm:s1], $0x4000  }
0x17: {  	s6 =	simm.s32 @!p0 $0x11  }
0x18: {  	_ =	swait.ge @!p0 [sflag:s6], $0x4000  }
0x19: {  	[sflag:s6] =	ssyncset.done @!p0 $0x0  }
0x1a: {  	s12 =	simm.s32 $0x11;
	s8 =	rddreg [dreg:$0x5];
	[sflag:s6] =	ssyncadd.s32 @!p0 $0xFFFFC000  }
0x1b: {  	[tilespmem:s3], [sflag:$0x11] =	stream.linear.gather [hbm4b:s8+s3], $0x2000, $0x38;
	[tilespmem:$0x14000] =	vst v63  }
0x1c: {  	_ =	swait.ge [sflag:s12], $0x2000  }
0x1d: {  	[sflag:s12] =	ssyncset.done $0x0  }
0x1e: {  	[sflag:s12] =	ssyncadd.s32 $0xFFFFE000  }
0x1f: {  	[bflag:$0x0] =	sbarrier.arrive $0xFFFF  }
0x20: {  	[tilespmem:s10], [sflag:$0x1] =	stream.indirect.gather [spmem:s2], $0x80, s3, s9, $0xb8;
	[tilespmem:$0x14000] =	vst v63  }
0x21: {  	_ = 	snop  }
0x22: {  	[tilespmem:s11], [sflag:$0x2] =	stream.indirect.gather [spmem:s2], $0x80, s9, s9, $0xb8;
	[tilespmem:$0x14000] =	vst v63  }
0x23: {  	s14 =	simm.s32 $0x80  }
0x24: {  	[tilespmem:s13], [sflag:$0x3] =	stream.indirect.gather [spmem:s2], $0x80, s14, s9, $0xb8;
	[tilespmem:$0x14000] =	vst v63  }
0x25: {  	s6 =	simm.s32 $0xC0  }
0x26: {  	[tilespmem:s15], [sflag:$0x4] =	stream.indirect.gather [spmem:s2], $0x80, s6, s9, $0xb8;
	[tilespmem:$0x14000] =	vst v63  }
0x27: {  	s7 =	simm.s32 $0x100  }
0x28: {  	[tilespmem:s17], [sflag:$0x5] =	stream.indirect.gather [spmem:s2], $0x80, s7, s9, $0xb8;
	[tilespmem:$0x14000] =	vst v63  }
0x29: {  	s8 =	simm.s32 $0x140  }
0x2a: {  	[tilespmem:s19], [sflag:$0x6] =	stream.indirect.gather [spmem:s2], $0x80, s8, s9, $0xb8;
	[tilespmem:$0x14000] =	vst v63  }
0x2b: {  	s12 =	simm.s32 $0x180  }
0x2c: {  	[tilespmem:s21], [sflag:$0x7] =	stream.indirect.gather [spmem:s2], $0x80, s12, s9, $0xb8;
	[tilespmem:$0x14000] =	vst v63  }
0x2d: {  	s14 =	simm.s32 $0x1C0;
	s6 =	rddreg [dreg:$0x7];
	s7 =	simm.s32 $0x0  }
0x2e: {  	[tilespmem:s23], [sflag:$0x8] =	stream.indirect.gather [spmem:s2], $0x80, s14, s9, $0xb8;
	[tilespmem:$0x14000] =	vst v63  }
.LBB2_2:
0x2f: {  	_ =	swait.ge [sflag:s24], $0x2000  }
0x30: {  	[sflag:s24] =	ssyncset.done $0x0  }
0x31: {  	s8 =	sadd.s32 $0xFFFFE400, s6;
	[sflag:s24] =	ssyncadd.s32 $0xFFFFE000  }
0x32: {  	[hbm4b:s8+s3] =	stream.linear.scatter [tilespmem:s10], [sflag:$0x9], $0x2000, $0x38;
	[tilespmem:$0x14000] =	vst v63  }
0x33: {  	_ =	swait.ge [sflag:s25], $0x2000  }
0x34: {  	[sflag:s25] =	ssyncset.done $0x0  }
0x35: {  	s1 =	sadd.s32 $0xFFFFE800, s6;
	[sflag:s25] =	ssyncadd.s32 $0xFFFFE000  }
0x36: {  	[hbm4b:s1+s3] =	stream.linear.scatter [tilespmem:s11], [sflag:$0xA], $0x2000, $0x38;
	[tilespmem:$0x14000] =	vst v63  }
0x37: {  	_ =	swait.ge [sflag:s26], $0x2000  }
0x38: {  	[sflag:s26] =	ssyncset.done $0x0  }
0x39: {  	s12 =	sadd.s32 $0xFFFFEC00, s6;
	[sflag:s26] =	ssyncadd.s32 $0xFFFFE000  }
0x3a: {  	[hbm4b:s12+s3] =	stream.linear.scatter [tilespmem:s13], [sflag:$0xB], $0x2000, $0x38;
	[tilespmem:$0x14000] =	vst v63  }
0x3b: {  	_ =	swait.ge [sflag:s28], $0x2000  }
0x3c: {  	[sflag:s28] =	ssyncset.done $0x0  }
0x3d: {  	s14 =	sadd.s32 $0xFFFFF000, s6;
	[sflag:s28] =	ssyncadd.s32 $0xFFFFE000  }
0x3e: {  	[hbm4b:s14+s3] =	stream.linear.scatter [tilespmem:s15], [sflag:$0xC], $0x2000, $0x38;
	[tilespmem:$0x14000] =	vst v63  }
0x3f: {  	_ =	swait.ge [sflag:s29], $0x2000  }
0x40: {  	[sflag:s29] =	ssyncset.done $0x0  }
0x41: {  	s1 =	sadd.s32 $0xFFFFF400, s6;
	[sflag:s29] =	ssyncadd.s32 $0xFFFFE000  }
0x42: {  	[hbm4b:s1+s3] =	stream.linear.scatter [tilespmem:s17], [sflag:$0xD], $0x2000, $0x38;
	[tilespmem:$0x14000] =	vst v63  }
0x43: {  	_ =	swait.ge [sflag:s30], $0x2000  }
0x44: {  	[sflag:s30] =	ssyncset.done $0x0  }
0x45: {  	s12 =	sadd.s32 $0xFFFFF800, s6;
	[sflag:s30] =	ssyncadd.s32 $0xFFFFE000  }
0x46: {  	[hbm4b:s12+s3] =	stream.linear.scatter [tilespmem:s19], [sflag:$0xE], $0x2000, $0x38;
	[tilespmem:$0x14000] =	vst v63  }
0x47: {  	_ =	swait.ge [sflag:s31], $0x2000  }
0x48: {  	[sflag:s31] =	ssyncset.done $0x0  }
0x49: {  	s14 =	sadd.s32 $0xFFFFFC00, s6;
	[sflag:s31] =	ssyncadd.s32 $0xFFFFE000  }
0x4a: {  	[hbm4b:s14+s3] =	stream.linear.scatter [tilespmem:s21], [sflag:$0xF], $0x2000, $0x38;
	[tilespmem:$0x14000] =	vst v63  }
0x4b: {  	_ =	swait.ge [sflag:s0], $0x2000  }
0x4c: {  	p1 =	seq.s32 s7, $0x7800;
	[sflag:s0] =	ssyncset.done $0x0  }
0x4d: {  	s8 =	simm.s32 @!p1 $0x9;
	[sflag:s0] =	ssyncadd.s32 $0xFFFFE000  }
0x4e: {  	[hbm4b:s6+s3] =	stream.linear.scatter [tilespmem:s23], [sflag:$0x10], $0x2000, $0x38;
	[tilespmem:$0x14000] =	vst v63  }
0x4f: {  	_ =	swait.ge @!p1 [sflag:s8], $0x2000  }
0x50: {  	[sflag:s8] =	ssyncset.done @!p1 $0x0  }
0x51: {  	[sflag:s8] =	ssyncadd.s32 @!p1 $0xFFFFE000;
	s8 =	sshra.s32 @!p1 s7, $0x2  }
0x52: {  	s12 =	simm.s32 @!p1 $0x40;
	s14 =	simm.s32 @!p1 $0x2000;
	s1 =	sadd.s32 @!p1 $0x200, s8  }
0x53: {  	[tilespmem:s14], [sflag:$0x1] =	stream.indirect.gather @!p1 [spmem:s2], $0x80, s1, s12, $0xb8;
	[tilespmem:$0x14000] =	vst v63  }
0x54: {  	s1 =	simm.s32 @!p1 $0xA  }
0x55: {  	_ =	swait.ge @!p1 [sflag:s1], $0x2000  }
0x56: {  	[sflag:s1] =	ssyncset.done @!p1 $0x0  }
0x57: {  	s14 =	simm.s32 @!p1 $0x4000;
	[sflag:s1] =	ssyncadd.s32 @!p1 $0xFFFFE000;
	s1 =	sadd.s32 @!p1 $0x240, s8  }
0x58: {  	[tilespmem:s14], [sflag:$0x2] =	stream.indirect.gather @!p1 [spmem:s2], $0x80, s1, s12, $0xb8;
	[tilespmem:$0x14000] =	vst v63  }
0x59: {  	s1 =	simm.s32 @!p1 $0xB  }
0x5a: {  	_ =	swait.ge @!p1 [sflag:s1], $0x2000  }
0x5b: {  	[sflag:s1] =	ssyncset.done @!p1 $0x0  }
0x5c: {  	s14 =	simm.s32 @!p1 $0x6000;
	[sflag:s1] =	ssyncadd.s32 @!p1 $0xFFFFE000;
	s1 =	sadd.s32 @!p1 $0x280, s8  }
0x5d: {  	[tilespmem:s14], [sflag:$0x3] =	stream.indirect.gather @!p1 [spmem:s2], $0x80, s1, s12, $0xb8;
	[tilespmem:$0x14000] =	vst v63  }
0x5e: {  	s1 =	simm.s32 @!p1 $0xC  }
0x5f: {  	_ =	swait.ge @!p1 [sflag:s1], $0x2000  }
0x60: {  	[sflag:s1] =	ssyncset.done @!p1 $0x0  }
0x61: {  	s14 =	simm.s32 @!p1 $0x8000;
	[sflag:s1] =	ssyncadd.s32 @!p1 $0xFFFFE000;
	s1 =	sadd.s32 @!p1 $0x2C0, s8  }
0x62: {  	[tilespmem:s14], [sflag:$0x4] =	stream.indirect.gather @!p1 [spmem:s2], $0x80, s1, s12, $0xb8;
	[tilespmem:$0x14000] =	vst v63  }
0x63: {  	s1 =	simm.s32 @!p1 $0xD  }
0x64: {  	_ =	swait.ge @!p1 [sflag:s1], $0x2000  }
0x65: {  	[sflag:s1] =	ssyncset.done @!p1 $0x0  }
0x66: {  	s14 =	simm.s32 @!p1 $0xA000;
	[sflag:s1] =	ssyncadd.s32 @!p1 $0xFFFFE000;
	s1 =	sadd.s32 @!p1 $0x300, s8  }
0x67: {  	[tilespmem:s14], [sflag:$0x5] =	stream.indirect.gather @!p1 [spmem:s2], $0x80, s1, s12, $0xb8;
	[tilespmem:$0x14000] =	vst v63  }
0x68: {  	s1 =	simm.s32 @!p1 $0xE  }
0x69: {  	_ =	swait.ge @!p1 [sflag:s1], $0x2000  }
0x6a: {  	[sflag:s1] =	ssyncset.done @!p1 $0x0  }
0x6b: {  	s14 =	simm.s32 @!p1 $0xC000;
	[sflag:s1] =	ssyncadd.s32 @!p1 $0xFFFFE000;
	s1 =	sadd.s32 @!p1 $0x340, s8  }
0x6c: {  	[tilespmem:s14], [sflag:$0x6] =	stream.indirect.gather @!p1 [spmem:s2], $0x80, s1, s12, $0xb8;
	[tilespmem:$0x14000] =	vst v63  }
0x6d: {  	s7 =	sadd.s32 @!p1 $0x800, s7;
	s1 =	simm.s32 @!p1 $0xF  }
0x6e: {  	p2 =	sne.s32 @!p1 s7, $0x8000;
	_ =	swait.ge @!p1 [sflag:s1], $0x2000  }
0x6f: {  	p2 =	por p1, !p2;
	[sflag:s1] =	ssyncset.done @!p1 $0x0  }
0x70: {  	s14 =	simm.s32 @!p1 $0xE000;
	[sflag:s1] =	ssyncadd.s32 @!p1 $0xFFFFE000;
	s1 =	sadd.s32 @!p1 $0x380, s8  }
0x71: {  	[tilespmem:s14], [sflag:$0x7] =	stream.indirect.gather @!p1 [spmem:s2], $0x80, s1, s12, $0xb8;
	[tilespmem:$0x14000] =	vst v63  }
.Ltmp0:
0x72: {  	s1 =	simm.s32 @!p1 $0x10;
	(pc) =	sbr.rel @!p2 .LBB2_2-.Ltmp0, $4  }
0x73: {  	_ =	swait.ge @!p1 [sflag:s1], $0x2000  }
0x74: {  	s6 =	sadd.s32 @!p1 $0x2000, s6;
	[sflag:s1] =	ssyncset.done @!p1 $0x0  }
0x75: {  	[sflag:s1] =	ssyncadd.s32 @!p1 $0xFFFFE000;
	s1 =	sadd.s32 @!p1 $0x3C0, s8;
	s8 =	simm.s32 @!p1 $0x10000  }
0x76: {  	[tilespmem:s8], [sflag:$0x8] =	stream.indirect.gather @!p1 [spmem:s2], $0x80, s1, s12, $0xb8;
	[tilespmem:$0x14000] =	vst v63  }
0x77: {  	s1 =	simm.s32 $0x9  }
0x78: {  	_ =	swait.ge [sflag:s1], $0x2000  }
0x79: {  	[sflag:s1] =	ssyncset.done $0x0  }
0x7a: {  	s8 =	simm.s32 $0xA;
	[sflag:s1] =	ssyncadd.s32 $0xFFFFE000  }
0x7b: {  	_ =	swait.ge [sflag:s8], $0x2000  }
0x7c: {  	[sflag:s8] =	ssyncset.done $0x0  }
0x7d: {  	s12 =	simm.s32 $0xB;
	[sflag:s8] =	ssyncadd.s32 $0xFFFFE000  }
0x7e: {  	_ =	swait.ge [sflag:s12], $0x2000  }
0x7f: {  	[sflag:s12] =	ssyncset.done $0x0  }
0x80: {  	[sflag:s12] =	ssyncadd.s32 $0xFFFFE000  }
0x81: {  	_ =	swait.ge [sflag:s16], $0x2000  }
0x82: {  	[sflag:s16] =	ssyncset.done $0x0  }
0x83: {  	[sflag:s16] =	ssyncadd.s32 $0xFFFFE000  }
0x84: {  	_ =	swait.ge [sflag:s18], $0x2000  }
0x85: {  	[sflag:s18] =	ssyncset.done $0x0  }
0x86: {  	[sflag:s18] =	ssyncadd.s32 $0xFFFFE000  }
0x87: {  	_ =	swait.ge [sflag:s20], $0x2000  }
0x88: {  	[sflag:s20] =	ssyncset.done $0x0  }
0x89: {  	[sflag:s20] =	ssyncadd.s32 $0xFFFFE000  }
0x8a: {  	_ =	swait.ge [sflag:s22], $0x2000  }
0x8b: {  	[sflag:s22] =	ssyncset.done $0x0  }
0x8c: {  	[sflag:s22] =	ssyncadd.s32 $0xFFFFE000  }
0x8d: {  	_ =	swait.ge [sflag:s4], $0x2000  }
0x8e: {  	s5 =	sadd.s32 $0x1, s5;
	s14 =	rddreg [dreg:$0x6]  }
0x8f: {  	p1 =	sne.s32 s5, s14  }
.Ltmp1:
0x90: {  	_ = 	snop;
	(pc) =	sbr.rel @p1 .LBB2_1-.Ltmp1, $3  }
0x91: {  	_ =	sdelay $0x1  }
0x92: {  	[sflag:s4] =	ssyncset.done $0x0  }
0x93: {  	[sflag:s4] =	ssyncadd.s32 $0xFFFFE000  }
0x94: {  	_ =	sfence.sel $0x180000  }
0x95: {  	[bflag:$0x0] =	sbarrier.arrive $0xFFFF  }
0x96: {  	_ =	strace $0x90000047  }
0x97: {  	[bflag:$0x2] =	sbarrier.arrive $0xFFFF  }
0x98: {  	s0 =	rddreg [dreg:$0x4]  }
0x99: {  	s0 =	sadd.s32 @!p0 $0x100000, s0  }
0x9a: {  	[sflag:s0] =	ssyncadd.tile.s32 @!p0 $0x1;
	_ =	shalt  }
.Lfunc_end2:
_tile_overlayer_lowered:
.L_overlay_start_2:
0x9b: {  	(tag) =	ssettag $0x2  }
0x9c: {  	s0 =	rddreg [dreg:$0x0];
	s2 =	stileid.u32  }
0x9d: {  	s1 =	rddreg [dreg:$0x1];
	p0 =	sne.s32 s2, $0x0  }
0x9e: {  	s3 =	rddreg [dreg:$0x2];
	[bflag:$0x3] =	sbarrier.arrive $0xFFFF;
	s2 =	simm.s32 @!p0 $0x1C11  }
0x9f: {  	[timem:s3], [sflag:s2] =	dma.local @!p0 [hbm:s0], s1  }
0xa0: {  	s0 =	simm.s32 @!p0 $0x11  }
0xa1: {  	_ =	swait.ge @!p0 [sflag:s0], s1  }
0xa2: {  	s1 =	ssub.s32 @!p0 $0x0, s1;
	[sflag:s0] =	ssyncset.done @!p0 $0x0  }
0xa3: {  	[sflag:s0] =	ssyncadd.s32 @!p0 s1  }
0xa4: {  	[bflag:$0x3] =	sbarrier.arrive $0xFFFF  }
0xa5: {  	_ =	shalt  }

</sc_bundles>
